<compile_context>
chip_gen: v7x
topology: tpu7x:2x2x1
jax: 0.10.2.dev20260603
libtpu: 0.0.44.dev20260713+nightly
codegen_flags: <defaults>
</compile_context>

<pallas_src>
import functools

import jax
import jax.numpy as jnp
from jax import lax
from jax.experimental import pallas as pl
from jax.experimental.pallas import tpu as pltpu
from jax.experimental.pallas import tpu_sc as plsc

F = 64
F2 = 128
M = 16
NBR = 41
NCONV = 3
NCRYS = 512
EPS = 1e-5


def _softplus(x):
    return jnp.maximum(x, 0.0) + jnp.log(1.0 + jnp.exp(-jnp.abs(x)))


def _sigmoid(x):
    return 0.5 + 0.5 * jnp.tanh(0.5 * x)


@functools.cache
def _make_gather(n_idx, feat):
    info = plsc.get_sparse_core_info()
    nc, ns = info.num_cores, info.num_subcores
    nw = nc * ns
    per_w = n_idx // nw
    assert per_w * nw == n_idx
    chb = 480
    n_full = per_w // chb
    tail = per_w - n_full * chb
    assert tail % 8 == 0 and n_full >= 2
    mesh = plsc.VectorSubcoreMesh(core_axis_name="c", subcore_axis_name="s")

    @functools.partial(
        pl.kernel,
        out_type=jax.ShapeDtypeStruct((n_idx, feat), jnp.float32),
        mesh=mesh,
        scratch_types=[
            pltpu.VMEM((chb,), jnp.int32),
            pltpu.VMEM((chb,), jnp.int32),
            pltpu.VMEM((chb, feat), jnp.float32),
            pltpu.VMEM((chb, feat), jnp.float32),
            pltpu.SemaphoreType.DMA,
        ],
    )
    def gather_k(y_hbm, idx_hbm, out_hbm, idx0, idx1, rows0, rows1, sem):
        wid = lax.axis_index("s") * nc + lax.axis_index("c")
        base = wid * per_w

        pltpu.sync_copy(idx_hbm.at[pl.ds(pl.multiple_of(base, 8), chb)], idx0)
        pltpu.async_copy(y_hbm.at[idx0], rows0, sem)

        def body(c, carry):
            b = lax.rem(c, 2)
            ofs = pl.multiple_of(base + c * chb, 8)
            pofs = pl.multiple_of(base + (c - 1) * chb, 8)

            @pl.when(b == 1)
            def _():
                pltpu.sync_copy(idx_hbm.at[pl.ds(ofs, chb)], idx1)
                pltpu.make_async_copy(y_hbm.at[idx0], rows0, sem).wait()
                pltpu.async_copy(y_hbm.at[idx1], rows1, sem)
                pltpu.sync_copy(rows0, out_hbm.at[pl.ds(pofs, chb)])

            @pl.when(b == 0)
            def _():
                pltpu.sync_copy(idx_hbm.at[pl.ds(ofs, chb)], idx0)
                pltpu.make_async_copy(y_hbm.at[idx1], rows1, sem).wait()
                pltpu.async_copy(y_hbm.at[idx0], rows0, sem)
                pltpu.sync_copy(rows1, out_hbm.at[pl.ds(pofs, chb)])

            return carry

        lax.fori_loop(1, n_full, body, 0)
        lofs = pl.multiple_of(base + (n_full - 1) * chb, 8)
        if (n_full - 1) % 2 == 0:
            l_idx, l_rows = idx0, rows0
            t_idx, t_rows = idx1, rows1
        else:
            l_idx, l_rows = idx1, rows1
            t_idx, t_rows = idx0, rows0
        pltpu.make_async_copy(y_hbm.at[l_idx], l_rows, sem).wait()
        pltpu.sync_copy(l_rows, out_hbm.at[pl.ds(lofs, chb)])
        if tail:
            tofs = pl.multiple_of(base + n_full * chb, 8)
            pltpu.sync_copy(idx_hbm.at[pl.ds(tofs, tail)],
                            t_idx.at[pl.ds(0, tail)])
            pltpu.async_copy(y_hbm.at[t_idx.at[pl.ds(0, tail)]],
                             t_rows.at[pl.ds(0, tail)], sem).wait()
            pltpu.sync_copy(t_rows.at[pl.ds(0, tail)],
                            out_hbm.at[pl.ds(tofs, tail)])

    return gather_k


def _emb(atom_fea, emb_W, emb_b, w_nbr, w_self, b):
    n, orig = atom_fea.shape
    nb = 2000

    def body(a_ref, w_ref, eb_ref, wn_ref, ws_ref, b_ref, x_ref, y_ref, z_ref):
        x = (jnp.dot(a_ref[...], w_ref[...], preferred_element_type=jnp.float32)
             + eb_ref[...])
        x_ref[...] = x
        y_ref[...] = jnp.dot(x, wn_ref[...], preferred_element_type=jnp.float32)
        z_ref[...] = (jnp.dot(x, ws_ref[...], preferred_element_type=jnp.float32)
                      + b_ref[...])

    return pl.pallas_call(
        body,
        grid=(n // nb,),
        in_specs=[
            pl.BlockSpec((nb, orig), lambda i: (i, 0)),
            pl.BlockSpec((orig, F), lambda i: (0, 0)),
            pl.BlockSpec((1, F), lambda i: (0, 0)),
            pl.BlockSpec((F, F2), lambda i: (0, 0)),
            pl.BlockSpec((F, F2), lambda i: (0, 0)),
            pl.BlockSpec((1, F2), lambda i: (0, 0)),
        ],
        out_specs=[
            pl.BlockSpec((nb, F), lambda i: (i, 0)),
            pl.BlockSpec((nb, F2), lambda i: (i, 0)),
            pl.BlockSpec((nb, F2), lambda i: (i, 0)),
        ],
        out_shape=[
            jax.ShapeDtypeStruct((n, F), jnp.float32),
            jax.ShapeDtypeStruct((n, F2), jnp.float32),
            jax.ShapeDtypeStruct((n, F2), jnp.float32),
        ],
    )(atom_fea, emb_W, emb_b.reshape(1, F), w_nbr, w_self, b)


def _pass_a(gath, z, nf3, w_edge, n):
    nb = 400
    ne = nb * M

    def body(g_ref, z_ref, nf_ref, we_ref, gated_ref, st_ref):
        i = pl.program_id(0)
        e = jnp.dot(nf_ref[...].reshape(ne, NBR), we_ref[...],
                    preferred_element_type=jnp.float32)
        g2 = ((e + g_ref[...]).reshape(nb, M, F2)
              + z_ref[...][:, None, :]).reshape(ne, F2)
        gated_ref[...] = g2.astype(jnp.bfloat16)
        st = jnp.concatenate(
            [jnp.sum(g2, axis=0, keepdims=True),
             jnp.sum(g2 * g2, axis=0, keepdims=True)], axis=0)

        @pl.when(i == 0)
        def _():
            st_ref[...] = st

        @pl.when(i != 0)
        def _():
            st_ref[...] += st

    return pl.pallas_call(
        body,
        grid=(n // nb,),
        in_specs=[
            pl.BlockSpec((ne, F2), lambda i: (i, 0)),
            pl.BlockSpec((nb, F2), lambda i: (i, 0)),
            pl.BlockSpec((nb, M, NBR), lambda i: (i, 0, 0)),
            pl.BlockSpec((NBR, F2), lambda i: (0, 0)),
        ],
        out_specs=[
            pl.BlockSpec((ne, F2), lambda i: (i, 0)),
            pl.BlockSpec((2, F2), lambda i: (0, 0)),
        ],
        out_shape=[
            jax.ShapeDtypeStruct((n * M, F2), jnp.bfloat16),
            jax.ShapeDtypeStruct((2, F2), jnp.float32),
        ],
    )(gath, z, nf3, w_edge)


def _pass_b(gated, st, g1, b1, n):
    nb = 1000
    ne = nb * M
    tot = float(n * M)

    def body(gd_ref, st_ref, g1_ref, b1_ref, ns_ref, st2_ref):
        i = pl.program_id(0)
        s = st_ref[...]
        mu = s[0:1, :] * (1.0 / tot)
        var = s[1:2, :] * (1.0 / tot) - mu * mu
        scale = g1_ref[...] * lax.rsqrt(var + EPS)
        shift = b1_ref[...] - mu * scale
        g2 = gd_ref[...].astype(jnp.float32) * scale + shift
        prod = _sigmoid(g2[:, :F]) * _softplus(g2[:, F:])
        ns = jnp.sum(prod.reshape(nb, M, F), axis=1)
        ns_ref[...] = ns
        st2 = jnp.concatenate(
            [jnp.sum(ns, axis=0, keepdims=True),
             jnp.sum(ns * ns, axis=0, keepdims=True)], axis=0)

        @pl.when(i == 0)
        def _():
            st2_ref[...] = st2

        @pl.when(i != 0)
        def _():
            st2_ref[...] += st2

    return pl.pallas_call(
        body,
        grid=(n // nb,),
        in_specs=[
            pl.BlockSpec((ne, F2), lambda i: (i, 0)),
            pl.BlockSpec((2, F2), lambda i: (0, 0)),
            pl.BlockSpec((1, F2), lambda i: (0, 0)),
            pl.BlockSpec((1, F2), lambda i: (0, 0)),
        ],
        out_specs=[
            pl.BlockSpec((nb, F), lambda i: (i, 0)),
            pl.BlockSpec((2, F), lambda i: (0, 0)),
        ],
        out_shape=[
            jax.ShapeDtypeStruct((n, F), jnp.float32),
            jax.ShapeDtypeStruct((2, F), jnp.float32),
        ],
    )(gated, st, g1, b1)


def _update(x, ns, st2, g2, b2, w_nbr, w_self, b):
    n = x.shape[0]
    nb = 2000

    def body(x_ref, ns_ref, st_ref, g_ref, bb_ref, wn_ref, ws_ref, b_ref,
             o_ref, y_ref, z_ref):
        s = st_ref[...]
        mu = s[0:1, :] * (1.0 / n)
        var = s[1:2, :] * (1.0 / n) - mu * mu
        scale = g_ref[...] * lax.rsqrt(var + EPS)
        shift = bb_ref[...] - mu * scale
        xn = _softplus(x_ref[...] + ns_ref[...] * scale + shift)
        o_ref[...] = xn
        y_ref[...] = jnp.dot(xn, wn_ref[...], preferred_element_type=jnp.float32)
        z_ref[...] = (jnp.dot(xn, ws_ref[...], preferred_element_type=jnp.float32)
                      + b_ref[...])

    return pl.pallas_call(
        body,
        grid=(n // nb,),
        in_specs=[
            pl.BlockSpec((nb, F), lambda i: (i, 0)),
            pl.BlockSpec((nb, F), lambda i: (i, 0)),
            pl.BlockSpec((2, F), lambda i: (0, 0)),
            pl.BlockSpec((1, F), lambda i: (0, 0)),
            pl.BlockSpec((1, F), lambda i: (0, 0)),
            pl.BlockSpec((F, F2), lambda i: (0, 0)),
            pl.BlockSpec((F, F2), lambda i: (0, 0)),
            pl.BlockSpec((1, F2), lambda i: (0, 0)),
        ],
        out_specs=[
            pl.BlockSpec((nb, F), lambda i: (i, 0)),
            pl.BlockSpec((nb, F2), lambda i: (i, 0)),
            pl.BlockSpec((nb, F2), lambda i: (i, 0)),
        ],
        out_shape=[
            jax.ShapeDtypeStruct((n, F), jnp.float32),
            jax.ShapeDtypeStruct((n, F2), jnp.float32),
            jax.ShapeDtypeStruct((n, F2), jnp.float32),
        ],
    )(x, ns, st2, g2, b2, w_nbr, w_self, b)


def _update_pool(x, ns, st2, g2, b2, seg):
    n = x.shape[0]
    nb = 2000

    def body(x_ref, ns_ref, st_ref, g_ref, b_ref, seg_ref, pool_ref, cnt_ref):
        i = pl.program_id(0)
        s = st_ref[...]
        mu = s[0:1, :] * (1.0 / n)
        var = s[1:2, :] * (1.0 / n) - mu * mu
        scale = g_ref[...] * lax.rsqrt(var + EPS)
        shift = b_ref[...] - mu * scale
        xn = _softplus(x_ref[...] + ns_ref[...] * scale + shift)
        oh = (seg_ref[...] == lax.broadcasted_iota(jnp.int32, (1, NCRYS), 1)
              ).astype(jnp.float32)
        pool = lax.dot_general(oh, xn, (((0,), (0,)), ((), ())),
                               preferred_element_type=jnp.float32)
        cnt = lax.dot_general(oh, jnp.ones((nb, 1), jnp.float32),
                              (((0,), (0,)), ((), ())),
                              preferred_element_type=jnp.float32)

        @pl.when(i == 0)
        def _():
            pool_ref[...] = pool
            cnt_ref[...] = cnt

        @pl.when(i != 0)
        def _():
            pool_ref[...] += pool
            cnt_ref[...] += cnt

    return pl.pallas_call(
        body,
        grid=(n // nb,),
        in_specs=[
            pl.BlockSpec((nb, F), lambda i: (i, 0)),
            pl.BlockSpec((nb, F), lambda i: (i, 0)),
            pl.BlockSpec((2, F), lambda i: (0, 0)),
            pl.BlockSpec((1, F), lambda i: (0, 0)),
            pl.BlockSpec((1, F), lambda i: (0, 0)),
            pl.BlockSpec((nb, 1), lambda i: (i, 0)),
        ],
        out_specs=[
            pl.BlockSpec((NCRYS, F), lambda i: (0, 0)),
            pl.BlockSpec((NCRYS, 1), lambda i: (0, 0)),
        ],
        out_shape=[
            jax.ShapeDtypeStruct((NCRYS, F), jnp.float32),
            jax.ShapeDtypeStruct((NCRYS, 1), jnp.float32),
        ],
    )(x, ns, st2, g2, b2, seg)


def _head(pool, cnt, w1, b1, w2, b2):
    def body(p_ref, c_ref, w1_ref, b1_ref, w2_ref, b2_ref, y_ref):
        crys = p_ref[...] / jnp.maximum(c_ref[...], 1.0)
        h = jnp.maximum(
            jnp.dot(crys, w1_ref[...], preferred_element_type=jnp.float32)
            + b1_ref[...], 0.0)
        y_ref[...] = (
            jnp.dot(h, w2_ref[...], preferred_element_type=jnp.float32)
            + b2_ref[...])

    return pl.pallas_call(
        body,
        out_shape=jax.ShapeDtypeStruct((NCRYS, F), jnp.float32),
    )(pool, cnt, w1, b1, w2, b2)


def kernel(atom_fea, nbr_fea, nbr_fea_idx, crystal_atom_idx,
           emb_W, emb_b, fc_W, fc_b, bn1_g, bn1_b, bn2_g, bn2_b,
           proj_W1, proj_b1, proj_W2, proj_b2):
    n, m = nbr_fea_idx.shape
    flat_idx = nbr_fea_idx.astype(jnp.int32).reshape(-1)
    nf_bf = nbr_fea.astype(jnp.bfloat16)
    seg = crystal_atom_idx.astype(jnp.int32).reshape(n, 1)

    x, y, z = _emb(atom_fea, emb_W, emb_b,
                   fc_W[0][F:2 * F], fc_W[0][:F], fc_b[0].reshape(1, F2))
    gather_fn = _make_gather(n * m, F2)

    pool = cnt = None
    for i in range(NCONV):
        w_edge = fc_W[i][2 * F:].astype(jnp.bfloat16)
        gath = gather_fn(y, flat_idx)
        gated, st = _pass_a(gath, z, nf_bf, w_edge, n)
        ns, st2 = _pass_b(gated, st,
                          bn1_g[i].reshape(1, F2), bn1_b[i].reshape(1, F2), n)
        g2 = bn2_g[i].reshape(1, F)
        b2 = bn2_b[i].reshape(1, F)
        if i < NCONV - 1:
            x, y, z = _update(x, ns, st2, g2, b2,
                              fc_W[i + 1][F:2 * F], fc_W[i + 1][:F],
                              fc_b[i + 1].reshape(1, F2))
        else:
            pool, cnt = _update_pool(x, ns, st2, g2, b2, seg)

    return _head(pool, cnt, proj_W1, proj_b1.reshape(1, F),
                 proj_W2, proj_b2.reshape(1, F))

# --- scband reference (transcript-rebuilt; emitter-appended) ---
"""Pipeline reference for scband-simclr-31155692765285 (READ-ONLY COPY).

The authoritative reference and input builder live on the scoring server;
editing this copy changes nothing except your own understanding.
"""

import jax, jax.numpy as jnp
import numpy as np

ATOM_FEA_LEN = 64
N_CONV = 3
ORIG = 92
NBR = 41
N_ATOMS = 50000
M_NBR = 16
N_CRYS = 512


def _batch_norm(x, g, b, eps=1e-5):
    mu = x.mean(axis=0)
    var = x.var(axis=0)
    return (x - mu) / jnp.sqrt(var + eps) * g + b


def setup_inputs(seed: int = 0) -> dict:
    key = jax.random.key(seed)
    ks = jax.random.split(key, 12)
    atom_fea = jax.random.normal(ks[0], (N_ATOMS, ORIG), jnp.float32)
    nbr_fea = jax.random.normal(ks[1], (N_ATOMS, M_NBR, NBR), jnp.float32)
    nbr_fea_idx = jax.random.randint(ks[2], (N_ATOMS, M_NBR), 0, N_ATOMS, dtype=jnp.int64) if jax.config.jax_enable_x64 else jax.random.randint(ks[2], (N_ATOMS, M_NBR), 0, N_ATOMS, dtype=jnp.int32)
    crystal_atom_idx = jnp.sort(jax.random.randint(ks[3], (N_ATOMS,), 0, N_CRYS, dtype=jnp.int32))
    emb_W = jax.random.normal(ks[4], (ORIG, ATOM_FEA_LEN), jnp.float32) * 0.1
    emb_b = jnp.zeros((ATOM_FEA_LEN,), jnp.float32)
    fc_W = jax.random.normal(ks[5], (N_CONV, 2 * ATOM_FEA_LEN + NBR, 2 * ATOM_FEA_LEN), jnp.float32) * 0.05
    fc_b = jnp.zeros((N_CONV, 2 * ATOM_FEA_LEN), jnp.float32)
    bn1_g = jnp.ones((N_CONV, 2 * ATOM_FEA_LEN), jnp.float32)
    bn1_b = jnp.zeros((N_CONV, 2 * ATOM_FEA_LEN), jnp.float32)
    bn2_g = jnp.ones((N_CONV, ATOM_FEA_LEN), jnp.float32)
    bn2_b = jnp.zeros((N_CONV, ATOM_FEA_LEN), jnp.float32)
    proj_W1 = jax.random.normal(ks[6], (ATOM_FEA_LEN, ATOM_FEA_LEN), jnp.float32) * 0.15
    proj_b1 = jnp.zeros((ATOM_FEA_LEN,), jnp.float32)
    proj_W2 = jax.random.normal(ks[7], (ATOM_FEA_LEN, ATOM_FEA_LEN), jnp.float32) * 0.15
    proj_b2 = jnp.zeros((ATOM_FEA_LEN,), jnp.float32)
    return {
        'atom_fea': atom_fea, 'nbr_fea': nbr_fea, 'nbr_fea_idx': nbr_fea_idx,
        'crystal_atom_idx': crystal_atom_idx,
        'emb_W': emb_W, 'emb_b': emb_b, 'fc_W': fc_W, 'fc_b': fc_b,
        'bn1_g': bn1_g, 'bn1_b': bn1_b, 'bn2_g': bn2_g, 'bn2_b': bn2_b,
        'proj_W1': proj_W1, 'proj_b1': proj_b1, 'proj_W2': proj_W2, 'proj_b2': proj_b2,
    }


def reference(atom_fea, nbr_fea, nbr_fea_idx, crystal_atom_idx,
              emb_W, emb_b, fc_W, fc_b, bn1_g, bn1_b, bn2_g, bn2_b,
              proj_W1, proj_b1, proj_W2, proj_b2):
    # CGCNN encoder: atom embedding
    x = atom_fea @ emb_W + emb_b  # [N, F]
    N, M = nbr_fea_idx.shape
    F = ATOM_FEA_LEN
    for i in range(N_CONV):
        # gather neighbor atom features (SparseCore gather)
        atom_nbr_fea = jnp.take(x, nbr_fea_idx, axis=0)  # [N, M, F]
        self_fea = jnp.broadcast_to(x[:, None, :], (N, M, F))
        total_nbr_fea = jnp.concatenate([self_fea, atom_nbr_fea, nbr_fea], axis=2)  # [N, M, 2F+NBR]
        gated = total_nbr_fea.reshape(N * M, 2 * F + NBR) @ fc_W[i] + fc_b[i]
        gated = _batch_norm(gated, bn1_g[i], bn1_b[i]).reshape(N, M, 2 * F)
        nbr_filter, nbr_core = jnp.split(gated, 2, axis=2)
        nbr_filter = jax.nn.sigmoid(nbr_filter)
        nbr_core = jax.nn.softplus(nbr_core)
        nbr_sumed = (nbr_filter * nbr_core).sum(axis=1)  # [N, F]
        nbr_sumed = _batch_norm(nbr_sumed, bn2_g[i], bn2_b[i])
        x = jax.nn.softplus(x + nbr_sumed)
    # per-crystal mean pooling (scatter-add / segment reduce)
    sums = jax.ops.segment_sum(x, crystal_atom_idx, num_segments=N_CRYS)
    counts = jax.ops.segment_sum(jnp.ones((N,), x.dtype), crystal_atom_idx, num_segments=N_CRYS)
    crys_fea = sums / jnp.clip(counts, 1.0)[:, None]  # [B, F]
    # projection head
    y = jax.nn.relu(crys_fea @ proj_W1 + proj_b1)
    y = y @ proj_W2 + proj_b2
    return y

if __name__ == "__main__":
    import jax
    _d = setup_inputs()
    print(jax.jit(kernel)(*tuple(_d.values())))

</pallas_src>

<mosaic_0001>
#map = affine_map<(d0, d1) -> (0, 0)>
#map1 = affine_map<(d0, d1) -> (0)>
module attributes {stable_mosaic.version = 14 : i64} {
  func.func @gather_k(%arg0: i32, %arg1: i32, %arg2: memref<50000x128xf32, #tpu.memory_space<hbm>>, %arg3: memref<800000xi32, #tpu.memory_space<hbm>>, %arg4: memref<800000x128xf32, #tpu.memory_space<hbm>>, %arg5: memref<480xi32, #tpu.memory_space<vmem>>, %arg6: memref<480xi32, #tpu.memory_space<vmem>>, %arg7: memref<480x128xf32, #tpu.memory_space<vmem>>, %arg8: memref<480x128xf32, #tpu.memory_space<vmem>>, %arg9: memref<!tpu.dma_semaphore, #tpu.memory_space<semaphore_mem>>) attributes {dimension_semantics = [#tpu.dimension_semantics<core_parallel>, #tpu.dimension_semantics<subcore_parallel>], iteration_bounds = array<i64: 2, 16>, scalar_prefetch = 0 : i64, scratch_operands = 5 : i64, tpu.core_type = #tpu.core_type<sc_vector_subcore>, window_params = [{transform_indices = #map}, {transform_indices = #map1}, {transform_indices = #map}]} {
    %mul3A = arith.constant 2 : i32
    %mul3A_0 = arith.muli %arg1, %mul3A : i32
    %add3A = arith.addi %mul3A_0, %arg0 : i32
    %mul3A_1 = arith.constant 25000 : i32
    %mul3A_2 = arith.muli %add3A, %mul3A_1 : i32
    %multiple_of3A = tpu.assume_multiple %mul3A_2, 8 : i32
    "tpu.region"() ({
      %run_scoped3A = tpu.sem_alloc : memref<!tpu.dma_semaphore, #tpu.memory_space<semaphore_mem>>
      %dma_start3A_34 = tpu.memref_slice %arg3[%multiple_of3A] : memref<800000xi32, #tpu.memory_space<hbm>> -> memref<480xi32, #tpu.memory_space<hbm>>
      %dma_start3A_35 = tpu.memref_slice %arg3[%multiple_of3A] : memref<800000xi32, #tpu.memory_space<hbm>> -> memref<480xi32, #tpu.memory_space<hbm>>
      tpu.enqueue_dma source(%dma_start3A_35 : memref<480xi32, #tpu.memory_space<hbm>>) target(%arg5 : memref<480xi32, #tpu.memory_space<vmem>>) target_semaphore(%run_scoped3A : memref<!tpu.dma_semaphore, #tpu.memory_space<semaphore_mem>>)
      %dma_wait3A_36 = tpu.memref_slice %arg3[%multiple_of3A] : memref<800000xi32, #tpu.memory_space<hbm>> -> memref<480xi32, #tpu.memory_space<hbm>>
      %dma_wait3A_37 = tpu.memref_slice %arg3[%multiple_of3A] : memref<800000xi32, #tpu.memory_space<hbm>> -> memref<480xi32, #tpu.memory_space<hbm>>
      tpu.wait_dma2 semaphore(%run_scoped3A : memref<!tpu.dma_semaphore, #tpu.memory_space<semaphore_mem>>) src(%dma_wait3A_37 : memref<480xi32, #tpu.memory_space<hbm>>) dst(%arg5 : memref<480xi32, #tpu.memory_space<vmem>>)
      tpu.yield
    }) : () -> ()
    %dma_start3A = arith.constant 0 : i32
    %dma_start3A_3 = arith.constant 0 : i32
    %dma_start3A_4 = tpu.memref_slice %arg2[%dma_start3A, %dma_start3A_3] : memref<50000x128xf32, #tpu.memory_space<hbm>> -> memref<50000x128xf32, #tpu.memory_space<hbm>>
    tpu.enqueue_indirect_dma source(%dma_start3A_4 : memref<50000x128xf32, #tpu.memory_space<hbm>>) target(%arg7 : memref<480x128xf32, #tpu.memory_space<vmem>>) offsets(%arg5 : memref<480xi32, #tpu.memory_space<vmem>>) semaphore(%arg9 : memref<!tpu.dma_semaphore, #tpu.memory_space<semaphore_mem>>)
    %scan3A = arith.constant 0 : i32
    %scan3A_5 = arith.constant 1 : i32
    %scan3A_6 = arith.constant 51 : i32
    %scan3A_7 = arith.addi %scan3A_5, %scan3A_6 : i32
    %scan3A_8 = arith.constant 1 : i32
    scf.for %scan3A_34 = %scan3A_5 to %scan3A_7 step %scan3A_8  : i32 {
      %rem3A = arith.constant 2 : i32
      %rem3A_35 = arith.remsi %scan3A_34, %rem3A : i32
      %mul3A_36 = arith.constant 480 : i32
      %mul3A_37 = arith.muli %scan3A_34, %mul3A_36 : i32
      %add3A_38 = arith.addi %mul3A_2, %mul3A_37 : i32
      %multiple_of3A_39 = tpu.assume_multiple %add3A_38, 8 : i32
      %sub3A = arith.constant 1 : i32
      %sub3A_40 = arith.subi %scan3A_34, %sub3A : i32
      %mul3A_41 = arith.constant 480 : i32
      %mul3A_42 = arith.muli %sub3A_40, %mul3A_41 : i32
      %add3A_43 = arith.addi %mul3A_2, %mul3A_42 : i32
      %multiple_of3A_44 = tpu.assume_multiple %add3A_43, 8 : i32
      %eq3A = arith.constant 1 : i32
      %eq3A_45 = arith.cmpi eq, %rem3A_35, %eq3A : i32
      %convert_element_type3A = arith.extui %eq3A_45 : i1 to i32
      %cond3A = arith.constant 0 : i32
      %cond3A_46 = arith.cmpi ne, %convert_element_type3A, %cond3A : i32
      scf.if %cond3A_46 {
        "tpu.region"() ({
          %run_scoped3A = tpu.sem_alloc : memref<!tpu.dma_semaphore, #tpu.memory_space<semaphore_mem>>
          %dma_start3A_58 = tpu.memref_slice %arg3[%multiple_of3A_39] : memref<800000xi32, #tpu.memory_space<hbm>> -> memref<480xi32, #tpu.memory_space<hbm>>
          %dma_start3A_59 = tpu.memref_slice %arg3[%multiple_of3A_39] : memref<800000xi32, #tpu.memory_space<hbm>> -> memref<480xi32, #tpu.memory_space<hbm>>
          tpu.enqueue_dma source(%dma_start3A_59 : memref<480xi32, #tpu.memory_space<hbm>>) target(%arg6 : memref<480xi32, #tpu.memory_space<vmem>>) target_semaphore(%run_scoped3A : memref<!tpu.dma_semaphore, #tpu.memory_space<semaphore_mem>>)
          %dma_wait3A_60 = tpu.memref_slice %arg3[%multiple_of3A_39] : memref<800000xi32, #tpu.memory_space<hbm>> -> memref<480xi32, #tpu.memory_space<hbm>>
          %dma_wait3A_61 = tpu.memref_slice %arg3[%multiple_of3A_39] : memref<800000xi32, #tpu.memory_space<hbm>> -> memref<480xi32, #tpu.memory_space<hbm>>
          tpu.wait_dma2 semaphore(%run_scoped3A : memref<!tpu.dma_semaphore, #tpu.memory_space<semaphore_mem>>) src(%dma_wait3A_61 : memref<480xi32, #tpu.memory_space<hbm>>) dst(%arg6 : memref<480xi32, #tpu.memory_space<vmem>>)
          tpu.yield
        }) : () -> ()
        %dma_wait3A_52 = arith.constant 0 : i32
        %dma_wait3A_53 = arith.constant 0 : i32
        %dma_wait3A_54 = tpu.memref_slice %arg2[%dma_wait3A_52, %dma_wait3A_53] : memref<50000x128xf32, #tpu.memory_space<hbm>> -> memref<50000x128xf32, #tpu.memory_space<hbm>>
        tpu.wait_indirect_dma semaphore(%arg9 : memref<!tpu.dma_semaphore, #tpu.memory_space<semaphore_mem>>) src(%dma_wait3A_54 : memref<50000x128xf32, #tpu.memory_space<hbm>>) dst(%arg7 : memref<480x128xf32, #tpu.memory_space<vmem>>)
        %dma_start3A_55 = arith.constant 0 : i32
        %dma_start3A_56 = arith.constant 0 : i32
        %dma_start3A_57 = tpu.memref_slice %arg2[%dma_start3A_55, %dma_start3A_56] : memref<50000x128xf32, #tpu.memory_space<hbm>> -> memref<50000x128xf32, #tpu.memory_space<hbm>>
        tpu.enqueue_indirect_dma source(%dma_start3A_57 : memref<50000x128xf32, #tpu.memory_space<hbm>>) target(%arg8 : memref<480x128xf32, #tpu.memory_space<vmem>>) offsets(%arg6 : memref<480xi32, #tpu.memory_space<vmem>>) semaphore(%arg9 : memref<!tpu.dma_semaphore, #tpu.memory_space<semaphore_mem>>)
        "tpu.region"() ({
          %run_scoped3A = tpu.sem_alloc : memref<!tpu.dma_semaphore, #tpu.memory_space<semaphore_mem>>
          %dma_start3A_58 = arith.constant 0 : i32
          %dma_start3A_59 = tpu.memref_slice %arg4[%multiple_of3A_44, %dma_start3A_58] : memref<800000x128xf32, #tpu.memory_space<hbm>> -> memref<480x128xf32, #tpu.memory_space<hbm>>
          %dma_start3A_60 = arith.constant 0 : i32
          %dma_start3A_61 = tpu.memref_slice %arg4[%multiple_of3A_44, %dma_start3A_60] : memref<800000x128xf32, #tpu.memory_space<hbm>> -> memref<480x128xf32, #tpu.memory_space<hbm>>
          tpu.enqueue_dma source(%arg7 : memref<480x128xf32, #tpu.memory_space<vmem>>) target(%dma_start3A_61 : memref<480x128xf32, #tpu.memory_space<hbm>>) target_semaphore(%run_scoped3A : memref<!tpu.dma_semaphore, #tpu.memory_space<semaphore_mem>>)
          %dma_wait3A_62 = arith.constant 0 : i32
          %dma_wait3A_63 = tpu.memref_slice %arg4[%multiple_of3A_44, %dma_wait3A_62] : memref<800000x128xf32, #tpu.memory_space<hbm>> -> memref<480x128xf32, #tpu.memory_space<hbm>>
          %dma_wait3A_64 = arith.constant 0 : i32
          %dma_wait3A_65 = tpu.memref_slice %arg4[%multiple_of3A_44, %dma_wait3A_64] : memref<800000x128xf32, #tpu.memory_space<hbm>> -> memref<480x128xf32, #tpu.memory_space<hbm>>
          tpu.wait_dma2 semaphore(%run_scoped3A : memref<!tpu.dma_semaphore, #tpu.memory_space<semaphore_mem>>) src(%arg7 : memref<480x128xf32, #tpu.memory_space<vmem>>) dst(%dma_wait3A_65 : memref<480x128xf32, #tpu.memory_space<hbm>>)
          tpu.yield
        }) : () -> ()
      } else {
      }
      %eq3A_47 = arith.constant 0 : i32
      %eq3A_48 = arith.cmpi eq, %rem3A_35, %eq3A_47 : i32
      %convert_element_type3A_49 = arith.extui %eq3A_48 : i1 to i32
      %cond3A_50 = arith.constant 0 : i32
      %cond3A_51 = arith.cmpi ne, %convert_element_type3A_49, %cond3A_50 : i32
      scf.if %cond3A_51 {
        "tpu.region"() ({
          %run_scoped3A = tpu.sem_alloc : memref<!tpu.dma_semaphore, #tpu.memory_space<semaphore_mem>>
          %dma_start3A_58 = tpu.memref_slice %arg3[%multiple_of3A_39] : memref<800000xi32, #tpu.memory_space<hbm>> -> memref<480xi32, #tpu.memory_space<hbm>>
          %dma_start3A_59 = tpu.memref_slice %arg3[%multiple_of3A_39] : memref<800000xi32, #tpu.memory_space<hbm>> -> memref<480xi32, #tpu.memory_space<hbm>>
          tpu.enqueue_dma source(%dma_start3A_59 : memref<480xi32, #tpu.memory_space<hbm>>) target(%arg5 : memref<480xi32, #tpu.memory_space<vmem>>) target_semaphore(%run_scoped3A : memref<!tpu.dma_semaphore, #tpu.memory_space<semaphore_mem>>)
          %dma_wait3A_60 = tpu.memref_slice %arg3[%multiple_of3A_39] : memref<800000xi32, #tpu.memory_space<hbm>> -> memref<480xi32, #tpu.memory_space<hbm>>
          %dma_wait3A_61 = tpu.memref_slice %arg3[%multiple_of3A_39] : memref<800000xi32, #tpu.memory_space<hbm>> -> memref<480xi32, #tpu.memory_space<hbm>>
          tpu.wait_dma2 semaphore(%run_scoped3A : memref<!tpu.dma_semaphore, #tpu.memory_space<semaphore_mem>>) src(%dma_wait3A_61 : memref<480xi32, #tpu.memory_space<hbm>>) dst(%arg5 : memref<480xi32, #tpu.memory_space<vmem>>)
          tpu.yield
        }) : () -> ()
        %dma_wait3A_52 = arith.constant 0 : i32
        %dma_wait3A_53 = arith.constant 0 : i32
        %dma_wait3A_54 = tpu.memref_slice %arg2[%dma_wait3A_52, %dma_wait3A_53] : memref<50000x128xf32, #tpu.memory_space<hbm>> -> memref<50000x128xf32, #tpu.memory_space<hbm>>
        tpu.wait_indirect_dma semaphore(%arg9 : memref<!tpu.dma_semaphore, #tpu.memory_space<semaphore_mem>>) src(%dma_wait3A_54 : memref<50000x128xf32, #tpu.memory_space<hbm>>) dst(%arg8 : memref<480x128xf32, #tpu.memory_space<vmem>>)
        %dma_start3A_55 = arith.constant 0 : i32
        %dma_start3A_56 = arith.constant 0 : i32
        %dma_start3A_57 = tpu.memref_slice %arg2[%dma_start3A_55, %dma_start3A_56] : memref<50000x128xf32, #tpu.memory_space<hbm>> -> memref<50000x128xf32, #tpu.memory_space<hbm>>
        tpu.enqueue_indirect_dma source(%dma_start3A_57 : memref<50000x128xf32, #tpu.memory_space<hbm>>) target(%arg7 : memref<480x128xf32, #tpu.memory_space<vmem>>) offsets(%arg5 : memref<480xi32, #tpu.memory_space<vmem>>) semaphore(%arg9 : memref<!tpu.dma_semaphore, #tpu.memory_space<semaphore_mem>>)
        "tpu.region"() ({
          %run_scoped3A = tpu.sem_alloc : memref<!tpu.dma_semaphore, #tpu.memory_space<semaphore_mem>>
          %dma_start3A_58 = arith.constant 0 : i32
          %dma_start3A_59 = tpu.memref_slice %arg4[%multiple_of3A_44, %dma_start3A_58] : memref<800000x128xf32, #tpu.memory_space<hbm>> -> memref<480x128xf32, #tpu.memory_space<hbm>>
          %dma_start3A_60 = arith.constant 0 : i32
          %dma_start3A_61 = tpu.memref_slice %arg4[%multiple_of3A_44, %dma_start3A_60] : memref<800000x128xf32, #tpu.memory_space<hbm>> -> memref<480x128xf32, #tpu.memory_space<hbm>>
          tpu.enqueue_dma source(%arg8 : memref<480x128xf32, #tpu.memory_space<vmem>>) target(%dma_start3A_61 : memref<480x128xf32, #tpu.memory_space<hbm>>) target_semaphore(%run_scoped3A : memref<!tpu.dma_semaphore, #tpu.memory_space<semaphore_mem>>)
          %dma_wait3A_62 = arith.constant 0 : i32
          %dma_wait3A_63 = tpu.memref_slice %arg4[%multiple_of3A_44, %dma_wait3A_62] : memref<800000x128xf32, #tpu.memory_space<hbm>> -> memref<480x128xf32, #tpu.memory_space<hbm>>
          %dma_wait3A_64 = arith.constant 0 : i32
          %dma_wait3A_65 = tpu.memref_slice %arg4[%multiple_of3A_44, %dma_wait3A_64] : memref<800000x128xf32, #tpu.memory_space<hbm>> -> memref<480x128xf32, #tpu.memory_space<hbm>>
          tpu.wait_dma2 semaphore(%run_scoped3A : memref<!tpu.dma_semaphore, #tpu.memory_space<semaphore_mem>>) src(%arg8 : memref<480x128xf32, #tpu.memory_space<vmem>>) dst(%dma_wait3A_65 : memref<480x128xf32, #tpu.memory_space<hbm>>)
          tpu.yield
        }) : () -> ()
      } else {
      }
    }
    %scan3A_9 = arith.constant 51 : i32
    %add3A_10 = arith.constant 24480 : i32
    %add3A_11 = arith.addi %mul3A_2, %add3A_10 : i32
    %multiple_of3A_12 = tpu.assume_multiple %add3A_11, 8 : i32
    %dma_wait3A = arith.constant 0 : i32
    %dma_wait3A_13 = arith.constant 0 : i32
    %dma_wait3A_14 = tpu.memref_slice %arg2[%dma_wait3A, %dma_wait3A_13] : memref<50000x128xf32, #tpu.memory_space<hbm>> -> memref<50000x128xf32, #tpu.memory_space<hbm>>
    tpu.wait_indirect_dma semaphore(%arg9 : memref<!tpu.dma_semaphore, #tpu.memory_space<semaphore_mem>>) src(%dma_wait3A_14 : memref<50000x128xf32, #tpu.memory_space<hbm>>) dst(%arg8 : memref<480x128xf32, #tpu.memory_space<vmem>>)
    "tpu.region"() ({
      %run_scoped3A = tpu.sem_alloc : memref<!tpu.dma_semaphore, #tpu.memory_space<semaphore_mem>>
      %dma_start3A_34 = arith.constant 0 : i32
      %dma_start3A_35 = tpu.memref_slice %arg4[%multiple_of3A_12, %dma_start3A_34] : memref<800000x128xf32, #tpu.memory_space<hbm>> -> memref<480x128xf32, #tpu.memory_space<hbm>>
      %dma_start3A_36 = arith.constant 0 : i32
      %dma_start3A_37 = tpu.memref_slice %arg4[%multiple_of3A_12, %dma_start3A_36] : memref<800000x128xf32, #tpu.memory_space<hbm>> -> memref<480x128xf32, #tpu.memory_space<hbm>>
      tpu.enqueue_dma source(%arg8 : memref<480x128xf32, #tpu.memory_space<vmem>>) target(%dma_start3A_37 : memref<480x128xf32, #tpu.memory_space<hbm>>) target_semaphore(%run_scoped3A : memref<!tpu.dma_semaphore, #tpu.memory_space<semaphore_mem>>)
      %dma_wait3A_38 = arith.constant 0 : i32
      %dma_wait3A_39 = tpu.memref_slice %arg4[%multiple_of3A_12, %dma_wait3A_38] : memref<800000x128xf32, #tpu.memory_space<hbm>> -> memref<480x128xf32, #tpu.memory_space<hbm>>
      %dma_wait3A_40 = arith.constant 0 : i32
      %dma_wait3A_41 = tpu.memref_slice %arg4[%multiple_of3A_12, %dma_wait3A_40] : memref<800000x128xf32, #tpu.memory_space<hbm>> -> memref<480x128xf32, #tpu.memory_space<hbm>>
      tpu.wait_dma2 semaphore(%run_scoped3A : memref<!tpu.dma_semaphore, #tpu.memory_space<semaphore_mem>>) src(%arg8 : memref<480x128xf32, #tpu.memory_space<vmem>>) dst(%dma_wait3A_41 : memref<480x128xf32, #tpu.memory_space<hbm>>)
      tpu.yield
    }) : () -> ()
    %add3A_15 = arith.constant 24960 : i32
    %add3A_16 = arith.addi %mul3A_2, %add3A_15 : i32
    %multiple_of3A_17 = tpu.assume_multiple %add3A_16, 8 : i32
    "tpu.region"() ({
      %run_scoped3A = tpu.sem_alloc : memref<!tpu.dma_semaphore, #tpu.memory_space<semaphore_mem>>
      %dma_start3A_34 = arith.constant 0 : i32
      %dma_start3A_35 = tpu.memref_slice %arg5[%dma_start3A_34] : memref<480xi32, #tpu.memory_space<vmem>> -> memref<40xi32, #tpu.memory_space<vmem>>
      %dma_start3A_36 = tpu.memref_slice %arg3[%multiple_of3A_17] : memref<800000xi32, #tpu.memory_space<hbm>> -> memref<40xi32, #tpu.memory_space<hbm>>
      %dma_start3A_37 = arith.constant 0 : i32
      %dma_start3A_38 = tpu.memref_slice %arg5[%dma_start3A_37] : memref<480xi32, #tpu.memory_space<vmem>> -> memref<40xi32, #tpu.memory_space<vmem>>
      %dma_start3A_39 = tpu.memref_slice %arg3[%multiple_of3A_17] : memref<800000xi32, #tpu.memory_space<hbm>> -> memref<40xi32, #tpu.memory_space<hbm>>
      tpu.enqueue_dma source(%dma_start3A_39 : memref<40xi32, #tpu.memory_space<hbm>>) target(%dma_start3A_38 : memref<40xi32, #tpu.memory_space<vmem>>) target_semaphore(%run_scoped3A : memref<!tpu.dma_semaphore, #tpu.memory_space<semaphore_mem>>)
      %dma_wait3A_40 = arith.constant 0 : i32
      %dma_wait3A_41 = tpu.memref_slice %arg5[%dma_wait3A_40] : memref<480xi32, #tpu.memory_space<vmem>> -> memref<40xi32, #tpu.memory_space<vmem>>
      %dma_wait3A_42 = tpu.memref_slice %arg3[%multiple_of3A_17] : memref<800000xi32, #tpu.memory_space<hbm>> -> memref<40xi32, #tpu.memory_space<hbm>>
      %dma_wait3A_43 = arith.constant 0 : i32
      %dma_wait3A_44 = tpu.memref_slice %arg5[%dma_wait3A_43] : memref<480xi32, #tpu.memory_space<vmem>> -> memref<40xi32, #tpu.memory_space<vmem>>
      %dma_wait3A_45 = tpu.memref_slice %arg3[%multiple_of3A_17] : memref<800000xi32, #tpu.memory_space<hbm>> -> memref<40xi32, #tpu.memory_space<hbm>>
      tpu.wait_dma2 semaphore(%run_scoped3A : memref<!tpu.dma_semaphore, #tpu.memory_space<semaphore_mem>>) src(%dma_wait3A_45 : memref<40xi32, #tpu.memory_space<hbm>>) dst(%dma_wait3A_44 : memref<40xi32, #tpu.memory_space<vmem>>)
      tpu.yield
    }) : () -> ()
    %dma_start3A_18 = arith.constant 0 : i32
    %dma_start3A_19 = arith.constant 0 : i32
    %dma_start3A_20 = tpu.memref_slice %arg7[%dma_start3A_18, %dma_start3A_19] : memref<480x128xf32, #tpu.memory_space<vmem>> -> memref<40x128xf32, #tpu.memory_space<vmem>>
    %dma_start3A_21 = arith.constant 0 : i32
    %dma_start3A_22 = tpu.memref_slice %arg5[%dma_start3A_21] : memref<480xi32, #tpu.memory_space<vmem>> -> memref<40xi32, #tpu.memory_space<vmem>>
    %dma_start3A_23 = arith.constant 0 : i32
    %dma_start3A_24 = arith.constant 0 : i32
    %dma_start3A_25 = tpu.memref_slice %arg2[%dma_start3A_23, %dma_start3A_24] : memref<50000x128xf32, #tpu.memory_space<hbm>> -> memref<50000x128xf32, #tpu.memory_space<hbm>>
    tpu.enqueue_indirect_dma source(%dma_start3A_25 : memref<50000x128xf32, #tpu.memory_space<hbm>>) target(%dma_start3A_20 : memref<40x128xf32, #tpu.memory_space<vmem>>) offsets(%dma_start3A_22 : memref<40xi32, #tpu.memory_space<vmem>>) semaphore(%arg9 : memref<!tpu.dma_semaphore, #tpu.memory_space<semaphore_mem>>)
    %dma_wait3A_26 = arith.constant 0 : i32
    %dma_wait3A_27 = arith.constant 0 : i32
    %dma_wait3A_28 = tpu.memref_slice %arg7[%dma_wait3A_26, %dma_wait3A_27] : memref<480x128xf32, #tpu.memory_space<vmem>> -> memref<40x128xf32, #tpu.memory_space<vmem>>
    %dma_wait3A_29 = arith.constant 0 : i32
    %dma_wait3A_30 = tpu.memref_slice %arg5[%dma_wait3A_29] : memref<480xi32, #tpu.memory_space<vmem>> -> memref<40xi32, #tpu.memory_space<vmem>>
    %dma_wait3A_31 = arith.constant 0 : i32
    %dma_wait3A_32 = arith.constant 0 : i32
    %dma_wait3A_33 = tpu.memref_slice %arg2[%dma_wait3A_31, %dma_wait3A_32] : memref<50000x128xf32, #tpu.memory_space<hbm>> -> memref<50000x128xf32, #tpu.memory_space<hbm>>
    tpu.wait_indirect_dma semaphore(%arg9 : memref<!tpu.dma_semaphore, #tpu.memory_space<semaphore_mem>>) src(%dma_wait3A_33 : memref<50000x128xf32, #tpu.memory_space<hbm>>) dst(%dma_wait3A_28 : memref<40x128xf32, #tpu.memory_space<vmem>>)
    "tpu.region"() ({
      %run_scoped3A = tpu.sem_alloc : memref<!tpu.dma_semaphore, #tpu.memory_space<semaphore_mem>>
      %dma_start3A_34 = arith.constant 0 : i32
      %dma_start3A_35 = arith.constant 0 : i32
      %dma_start3A_36 = tpu.memref_slice %arg7[%dma_start3A_34, %dma_start3A_35] : memref<480x128xf32, #tpu.memory_space<vmem>> -> memref<40x128xf32, #tpu.memory_space<vmem>>
      %dma_start3A_37 = arith.constant 0 : i32
      %dma_start3A_38 = tpu.memref_slice %arg4[%multiple_of3A_17, %dma_start3A_37] : memref<800000x128xf32, #tpu.memory_space<hbm>> -> memref<40x128xf32, #tpu.memory_space<hbm>>
      %dma_start3A_39 = arith.constant 0 : i32
      %dma_start3A_40 = tpu.memref_slice %arg4[%multiple_of3A_17, %dma_start3A_39] : memref<800000x128xf32, #tpu.memory_space<hbm>> -> memref<40x128xf32, #tpu.memory_space<hbm>>
      %dma_start3A_41 = arith.constant 0 : i32
      %dma_start3A_42 = arith.constant 0 : i32
      %dma_start3A_43 = tpu.memref_slice %arg7[%dma_start3A_41, %dma_start3A_42] : memref<480x128xf32, #tpu.memory_space<vmem>> -> memref<40x128xf32, #tpu.memory_space<vmem>>
      tpu.enqueue_dma source(%dma_start3A_43 : memref<40x128xf32, #tpu.memory_space<vmem>>) target(%dma_start3A_40 : memref<40x128xf32, #tpu.memory_space<hbm>>) target_semaphore(%run_scoped3A : memref<!tpu.dma_semaphore, #tpu.memory_space<semaphore_mem>>)
      %dma_wait3A_44 = arith.constant 0 : i32
      %dma_wait3A_45 = arith.constant 0 : i32
      %dma_wait3A_46 = tpu.memref_slice %arg7[%dma_wait3A_44, %dma_wait3A_45] : memref<480x128xf32, #tpu.memory_space<vmem>> -> memref<40x128xf32, #tpu.memory_space<vmem>>
      %dma_wait3A_47 = arith.constant 0 : i32
      %dma_wait3A_48 = tpu.memref_slice %arg4[%multiple_of3A_17, %dma_wait3A_47] : memref<800000x128xf32, #tpu.memory_space<hbm>> -> memref<40x128xf32, #tpu.memory_space<hbm>>
      %dma_wait3A_49 = arith.constant 0 : i32
      %dma_wait3A_50 = tpu.memref_slice %arg4[%multiple_of3A_17, %dma_wait3A_49] : memref<800000x128xf32, #tpu.memory_space<hbm>> -> memref<40x128xf32, #tpu.memory_space<hbm>>
      %dma_wait3A_51 = arith.constant 0 : i32
      %dma_wait3A_52 = arith.constant 0 : i32
      %dma_wait3A_53 = tpu.memref_slice %arg7[%dma_wait3A_51, %dma_wait3A_52] : memref<480x128xf32, #tpu.memory_space<vmem>> -> memref<40x128xf32, #tpu.memory_space<vmem>>
      tpu.wait_dma2 semaphore(%run_scoped3A : memref<!tpu.dma_semaphore, #tpu.memory_space<semaphore_mem>>) src(%dma_wait3A_53 : memref<40x128xf32, #tpu.memory_space<vmem>>) dst(%dma_wait3A_50 : memref<40x128xf32, #tpu.memory_space<hbm>>)
      tpu.yield
    }) : () -> ()
    return
  }
}

#map = affine_map<(d0, d1) -> (0, 0)>
#map1 = affine_map<(d0, d1) -> (0)>
module attributes {stable_mosaic.version = 14 : i64} {
  func.func @gather_k(%arg0: i32, %arg1: i32, %arg2: memref<50000x128xf32, #tpu.memory_space<hbm>>, %arg3: memref<800000xi32, #tpu.memory_space<hbm>>, %arg4: memref<800000x128xf32, #tpu.memory_space<hbm>>, %arg5: memref<480xi32, #tpu.memory_space<vmem>>, %arg6: memref<480xi32, #tpu.memory_space<vmem>>, %arg7: memref<480x128xf32, #tpu.memory_space<vmem>>, %arg8: memref<480x128xf32, #tpu.memory_space<vmem>>, %arg9: memref<!tpu.dma_semaphore, #tpu.memory_space<semaphore_mem>>) attributes {dimension_semantics = [#tpu.dimension_semantics<core_parallel>, #tpu.dimension_semantics<subcore_parallel>], iteration_bounds = array<i64: 2, 16>, scalar_prefetch = 0 : i64, scratch_operands = 5 : i64, tpu.core_type = #tpu.core_type<sc_vector_subcore>, window_params = [{transform_indices = #map}, {transform_indices = #map1}, {transform_indices = #map}]} {
    %mul3A = arith.constant 2 : i32
    %mul3A_0 = arith.muli %arg1, %mul3A : i32
    %add3A = arith.addi %mul3A_0, %arg0 : i32
    %mul3A_1 = arith.constant 25000 : i32
    %mul3A_2 = arith.muli %add3A, %mul3A_1 : i32
    %multiple_of3A = tpu.assume_multiple %mul3A_2, 8 : i32
    "tpu.region"() ({
      %run_scoped3A = tpu.sem_alloc : memref<!tpu.dma_semaphore, #tpu.memory_space<semaphore_mem>>
      %dma_start3A_34 = tpu.memref_slice %arg3[%multiple_of3A] : memref<800000xi32, #tpu.memory_space<hbm>> -> memref<480xi32, #tpu.memory_space<hbm>>
      %dma_start3A_35 = tpu.memref_slice %arg3[%multiple_of3A] : memref<800000xi32, #tpu.memory_space<hbm>> -> memref<480xi32, #tpu.memory_space<hbm>>
      tpu.enqueue_dma source(%dma_start3A_35 : memref<480xi32, #tpu.memory_space<hbm>>) target(%arg5 : memref<480xi32, #tpu.memory_space<vmem>>) target_semaphore(%run_scoped3A : memref<!tpu.dma_semaphore, #tpu.memory_space<semaphore_mem>>)
      %dma_wait3A_36 = tpu.memref_slice %arg3[%multiple_of3A] : memref<800000xi32, #tpu.memory_space<hbm>> -> memref<480xi32, #tpu.memory_space<hbm>>
      %dma_wait3A_37 = tpu.memref_slice %arg3[%multiple_of3A] : memref<800000xi32, #tpu.memory_space<hbm>> -> memref<480xi32, #tpu.memory_space<hbm>>
      tpu.wait_dma2 semaphore(%run_scoped3A : memref<!tpu.dma_semaphore, #tpu.memory_space<semaphore_mem>>) src(%dma_wait3A_37 : memref<480xi32, #tpu.memory_space<hbm>>) dst(%arg5 : memref<480xi32, #tpu.memory_space<vmem>>)
      tpu.yield
    }) : () -> ()
    %dma_start3A = arith.constant 0 : i32
    %dma_start3A_3 = arith.constant 0 : i32
    %dma_start3A_4 = tpu.memref_slice %arg2[%dma_start3A, %dma_start3A_3] : memref<50000x128xf32, #tpu.memory_space<hbm>> -> memref<50000x128xf32, #tpu.memory_space<hbm>>
    tpu.enqueue_indirect_dma source(%dma_start3A_4 : memref<50000x128xf32, #tpu.memory_space<hbm>>) target(%arg7 : memref<480x128xf32, #tpu.memory_space<vmem>>) offsets(%arg5 : memref<480xi32, #tpu.memory_space<vmem>>) semaphore(%arg9 : memref<!tpu.dma_semaphore, #tpu.memory_space<semaphore_mem>>)
    %scan3A = arith.constant 0 : i32
    %scan3A_5 = arith.constant 1 : i32
    %scan3A_6 = arith.constant 51 : i32
    %scan3A_7 = arith.addi %scan3A_5, %scan3A_6 : i32
    %scan3A_8 = arith.constant 1 : i32
    scf.for %scan3A_34 = %scan3A_5 to %scan3A_7 step %scan3A_8  : i32 {
      %rem3A = arith.constant 2 : i32
      %rem3A_35 = arith.remsi %scan3A_34, %rem3A : i32
      %mul3A_36 = arith.constant 480 : i32
      %mul3A_37 = arith.muli %scan3A_34, %mul3A_36 : i32
      %add3A_38 = arith.addi %mul3A_2, %mul3A_37 : i32
      %multiple_of3A_39 = tpu.assume_multiple %add3A_38, 8 : i32
      %sub3A = arith.constant 1 : i32
      %sub3A_40 = arith.subi %scan3A_34, %sub3A : i32
      %mul3A_41 = arith.constant 480 : i32
      %mul3A_42 = arith.muli %sub3A_40, %mul3A_41 : i32
      %add3A_43 = arith.addi %mul3A_2, %mul3A_42 : i32
      %multiple_of3A_44 = tpu.assume_multiple %add3A_43, 8 : i32
      %eq3A = arith.constant 1 : i32
      %eq3A_45 = arith.cmpi eq, %rem3A_35, %eq3A : i32
      %convert_element_type3A = arith.extui %eq3A_45 : i1 to i32
      %cond3A = arith.constant 0 : i32
      %cond3A_46 = arith.cmpi ne, %convert_element_type3A, %cond3A : i32
      scf.if %cond3A_46 {
        "tpu.region"() ({
          %run_scoped3A = tpu.sem_alloc : memref<!tpu.dma_semaphore, #tpu.memory_space<semaphore_mem>>
          %dma_start3A_58 = tpu.memref_slice %arg3[%multiple_of3A_39] : memref<800000xi32, #tpu.memory_space<hbm>> -> memref<480xi32, #tpu.memory_space<hbm>>
          %dma_start3A_59 = tpu.memref_slice %arg3[%multiple_of3A_39] : memref<800000xi32, #tpu.memory_space<hbm>> -> memref<480xi32, #tpu.memory_space<hbm>>
          tpu.enqueue_dma source(%dma_start3A_59 : memref<480xi32, #tpu.memory_space<hbm>>) target(%arg6 : memref<480xi32, #tpu.memory_space<vmem>>) target_semaphore(%run_scoped3A : memref<!tpu.dma_semaphore, #tpu.memory_space<semaphore_mem>>)
          %dma_wait3A_60 = tpu.memref_slice %arg3[%multiple_of3A_39] : memref<800000xi32, #tpu.memory_space<hbm>> -> memref<480xi32, #tpu.memory_space<hbm>>
          %dma_wait3A_61 = tpu.memref_slice %arg3[%multiple_of3A_39] : memref<800000xi32, #tpu.memory_space<hbm>> -> memref<480xi32, #tpu.memory_space<hbm>>
          tpu.wait_dma2 semaphore(%run_scoped3A : memref<!tpu.dma_semaphore, #tpu.memory_space<semaphore_mem>>) src(%dma_wait3A_61 : memref<480xi32, #tpu.memory_space<hbm>>) dst(%arg6 : memref<480xi32, #tpu.memory_space<vmem>>)
          tpu.yield
        }) : () -> ()
        %dma_wait3A_52 = arith.constant 0 : i32
        %dma_wait3A_53 = arith.constant 0 : i32
        %dma_wait3A_54 = tpu.memref_slice %arg2[%dma_wait3A_52, %dma_wait3A_53] : memref<50000x128xf32, #tpu.memory_space<hbm>> -> memref<50000x128xf32, #tpu.memory_space<hbm>>
        tpu.wait_indirect_dma semaphore(%arg9 : memref<!tpu.dma_semaphore, #tpu.memory_space<semaphore_mem>>) src(%dma_wait3A_54 : memref<50000x128xf32, #tpu.memory_space<hbm>>) dst(%arg7 : memref<480x128xf32, #tpu.memory_space<vmem>>)
        %dma_start3A_55 = arith.constant 0 : i32
        %dma_start3A_56 = arith.constant 0 : i32
        %dma_start3A_57 = tpu.memref_slice %arg2[%dma_start3A_55, %dma_start3A_56] : memref<50000x128xf32, #tpu.memory_space<hbm>> -> memref<50000x128xf32, #tpu.memory_space<hbm>>
        tpu.enqueue_indirect_dma source(%dma_start3A_57 : memref<50000x128xf32, #tpu.memory_space<hbm>>) target(%arg8 : memref<480x128xf32, #tpu.memory_space<vmem>>) offsets(%arg6 : memref<480xi32, #tpu.memory_space<vmem>>) semaphore(%arg9 : memref<!tpu.dma_semaphore, #tpu.memory_space<semaphore_mem>>)
        "tpu.region"() ({
          %run_scoped3A = tpu.sem_alloc : memref<!tpu.dma_semaphore, #tpu.memory_space<semaphore_mem>>
          %dma_start3A_58 = arith.constant 0 : i32
          %dma_start3A_59 = tpu.memref_slice %arg4[%multiple_of3A_44, %dma_start3A_58] : memref<800000x128xf32, #tpu.memory_space<hbm>> -> memref<480x128xf32, #tpu.memory_space<hbm>>
          %dma_start3A_60 = arith.constant 0 : i32
          %dma_start3A_61 = tpu.memref_slice %arg4[%multiple_of3A_44, %dma_start3A_60] : memref<800000x128xf32, #tpu.memory_space<hbm>> -> memref<480x128xf32, #tpu.memory_space<hbm>>
          tpu.enqueue_dma source(%arg7 : memref<480x128xf32, #tpu.memory_space<vmem>>) target(%dma_start3A_61 : memref<480x128xf32, #tpu.memory_space<hbm>>) target_semaphore(%run_scoped3A : memref<!tpu.dma_semaphore, #tpu.memory_space<semaphore_mem>>)
          %dma_wait3A_62 = arith.constant 0 : i32
          %dma_wait3A_63 = tpu.memref_slice %arg4[%multiple_of3A_44, %dma_wait3A_62] : memref<800000x128xf32, #tpu.memory_space<hbm>> -> memref<480x128xf32, #tpu.memory_space<hbm>>
          %dma_wait3A_64 = arith.constant 0 : i32
          %dma_wait3A_65 = tpu.memref_slice %arg4[%multiple_of3A_44, %dma_wait3A_64] : memref<800000x128xf32, #tpu.memory_space<hbm>> -> memref<480x128xf32, #tpu.memory_space<hbm>>
          tpu.wait_dma2 semaphore(%run_scoped3A : memref<!tpu.dma_semaphore, #tpu.memory_space<semaphore_mem>>) src(%arg7 : memref<480x128xf32, #tpu.memory_space<vmem>>) dst(%dma_wait3A_65 : memref<480x128xf32, #tpu.memory_space<hbm>>)
          tpu.yield
        }) : () -> ()
      } else {
      }
      %eq3A_47 = arith.constant 0 : i32
      %eq3A_48 = arith.cmpi eq, %rem3A_35, %eq3A_47 : i32
      %convert_element_type3A_49 = arith.extui %eq3A_48 : i1 to i32
      %cond3A_50 = arith.constant 0 : i32
      %cond3A_51 = arith.cmpi ne, %convert_element_type3A_49, %cond3A_50 : i32
      scf.if %cond3A_51 {
        "tpu.region"() ({
          %run_scoped3A = tpu.sem_alloc : memref<!tpu.dma_semaphore, #tpu.memory_space<semaphore_mem>>
          %dma_start3A_58 = tpu.memref_slice %arg3[%multiple_of3A_39] : memref<800000xi32, #tpu.memory_space<hbm>> -> memref<480xi32, #tpu.memory_space<hbm>>
          %dma_start3A_59 = tpu.memref_slice %arg3[%multiple_of3A_39] : memref<800000xi32, #tpu.memory_space<hbm>> -> memref<480xi32, #tpu.memory_space<hbm>>
          tpu.enqueue_dma source(%dma_start3A_59 : memref<480xi32, #tpu.memory_space<hbm>>) target(%arg5 : memref<480xi32, #tpu.memory_space<vmem>>) target_semaphore(%run_scoped3A : memref<!tpu.dma_semaphore, #tpu.memory_space<semaphore_mem>>)
          %dma_wait3A_60 = tpu.memref_slice %arg3[%multiple_of3A_39] : memref<800000xi32, #tpu.memory_space<hbm>> -> memref<480xi32, #tpu.memory_space<hbm>>
          %dma_wait3A_61 = tpu.memref_slice %arg3[%multiple_of3A_39] : memref<800000xi32, #tpu.memory_space<hbm>> -> memref<480xi32, #tpu.memory_space<hbm>>
          tpu.wait_dma2 semaphore(%run_scoped3A : memref<!tpu.dma_semaphore, #tpu.memory_space<semaphore_mem>>) src(%dma_wait3A_61 : memref<480xi32, #tpu.memory_space<hbm>>) dst(%arg5 : memref<480xi32, #tpu.memory_space<vmem>>)
          tpu.yield
        }) : () -> ()
        %dma_wait3A_52 = arith.constant 0 : i32
        %dma_wait3A_53 = arith.constant 0 : i32
        %dma_wait3A_54 = tpu.memref_slice %arg2[%dma_wait3A_52, %dma_wait3A_53] : memref<50000x128xf32, #tpu.memory_space<hbm>> -> memref<50000x128xf32, #tpu.memory_space<hbm>>
        tpu.wait_indirect_dma semaphore(%arg9 : memref<!tpu.dma_semaphore, #tpu.memory_space<semaphore_mem>>) src(%dma_wait3A_54 : memref<50000x128xf32, #tpu.memory_space<hbm>>) dst(%arg8 : memref<480x128xf32, #tpu.memory_space<vmem>>)
        %dma_start3A_55 = arith.constant 0 : i32
        %dma_start3A_56 = arith.constant 0 : i32
        %dma_start3A_57 = tpu.memref_slice %arg2[%dma_start3A_55, %dma_start3A_56] : memref<50000x128xf32, #tpu.memory_space<hbm>> -> memref<50000x128xf32, #tpu.memory_space<hbm>>
        tpu.enqueue_indirect_dma source(%dma_start3A_57 : memref<50000x128xf32, #tpu.memory_space<hbm>>) target(%arg7 : memref<480x128xf32, #tpu.memory_space<vmem>>) offsets(%arg5 : memref<480xi32, #tpu.memory_space<vmem>>) semaphore(%arg9 : memref<!tpu.dma_semaphore, #tpu.memory_space<semaphore_mem>>)
        "tpu.region"() ({
          %run_scoped3A = tpu.sem_alloc : memref<!tpu.dma_semaphore, #tpu.memory_space<semaphore_mem>>
          %dma_start3A_58 = arith.constant 0 : i32
          %dma_start3A_59 = tpu.memref_slice %arg4[%multiple_of3A_44, %dma_start3A_58] : memref<800000x128xf32, #tpu.memory_space<hbm>> -> memref<480x128xf32, #tpu.memory_space<hbm>>
          %dma_start3A_60 = arith.constant 0 : i32
          %dma_start3A_61 = tpu.memref_slice %arg4[%multiple_of3A_44, %dma_start3A_60] : memref<800000x128xf32, #tpu.memory_space<hbm>> -> memref<480x128xf32, #tpu.memory_space<hbm>>
          tpu.enqueue_dma source(%arg8 : memref<480x128xf32, #tpu.memory_space<vmem>>) target(%dma_start3A_61 : memref<480x128xf32, #tpu.memory_space<hbm>>) target_semaphore(%run_scoped3A : memref<!tpu.dma_semaphore, #tpu.memory_space<semaphore_mem>>)
          %dma_wait3A_62 = arith.constant 0 : i32
          %dma_wait3A_63 = tpu.memref_slice %arg4[%multiple_of3A_44, %dma_wait3A_62] : memref<800000x128xf32, #tpu.memory_space<hbm>> -> memref<480x128xf32, #tpu.memory_space<hbm>>
          %dma_wait3A_64 = arith.constant 0 : i32
          %dma_wait3A_65 = tpu.memref_slice %arg4[%multiple_of3A_44, %dma_wait3A_64] : memref<800000x128xf32, #tpu.memory_space<hbm>> -> memref<480x128xf32, #tpu.memory_space<hbm>>
          tpu.wait_dma2 semaphore(%run_scoped3A : memref<!tpu.dma_semaphore, #tpu.memory_space<semaphore_mem>>) src(%arg8 : memref<480x128xf32, #tpu.memory_space<vmem>>) dst(%dma_wait3A_65 : memref<480x128xf32, #tpu.memory_space<hbm>>)
          tpu.yield
        }) : () -> ()
      } else {
      }
    }
    %scan3A_9 = arith.constant 51 : i32
    %add3A_10 = arith.constant 24480 : i32
    %add3A_11 = arith.addi %mul3A_2, %add3A_10 : i32
    %multiple_of3A_12 = tpu.assume_multiple %add3A_11, 8 : i32
    %dma_wait3A = arith.constant 0 : i32
    %dma_wait3A_13 = arith.constant 0 : i32
    %dma_wait3A_14 = tpu.memref_slice %arg2[%dma_wait3A, %dma_wait3A_13] : memref<50000x128xf32, #tpu.memory_space<hbm>> -> memref<50000x128xf32, #tpu.memory_space<hbm>>
    tpu.wait_indirect_dma semaphore(%arg9 : memref<!tpu.dma_semaphore, #tpu.memory_space<semaphore_mem>>) src(%dma_wait3A_14 : memref<50000x128xf32, #tpu.memory_space<hbm>>) dst(%arg8 : memref<480x128xf32, #tpu.memory_space<vmem>>)
    "tpu.region"() ({
      %run_scoped3A = tpu.sem_alloc : memref<!tpu.dma_semaphore, #tpu.memory_space<semaphore_mem>>
      %dma_start3A_34 = arith.constant 0 : i32
      %dma_start3A_35 = tpu.memref_slice %arg4[%multiple_of3A_12, %dma_start3A_34] : memref<800000x128xf32, #tpu.memory_space<hbm>> -> memref<480x128xf32, #tpu.memory_space<hbm>>
      %dma_start3A_36 = arith.constant 0 : i32
      %dma_start3A_37 = tpu.memref_slice %arg4[%multiple_of3A_12, %dma_start3A_36] : memref<800000x128xf32, #tpu.memory_space<hbm>> -> memref<480x128xf32, #tpu.memory_space<hbm>>
      tpu.enqueue_dma source(%arg8 : memref<480x128xf32, #tpu.memory_space<vmem>>) target(%dma_start3A_37 : memref<480x128xf32, #tpu.memory_space<hbm>>) target_semaphore(%run_scoped3A : memref<!tpu.dma_semaphore, #tpu.memory_space<semaphore_mem>>)
      %dma_wait3A_38 = arith.constant 0 : i32
      %dma_wait3A_39 = tpu.memref_slice %arg4[%multiple_of3A_12, %dma_wait3A_38] : memref<800000x128xf32, #tpu.memory_space<hbm>> -> memref<480x128xf32, #tpu.memory_space<hbm>>
      %dma_wait3A_40 = arith.constant 0 : i32
      %dma_wait3A_41 = tpu.memref_slice %arg4[%multiple_of3A_12, %dma_wait3A_40] : memref<800000x128xf32, #tpu.memory_space<hbm>> -> memref<480x128xf32, #tpu.memory_space<hbm>>
      tpu.wait_dma2 semaphore(%run_scoped3A : memref<!tpu.dma_semaphore, #tpu.memory_space<semaphore_mem>>) src(%arg8 : memref<480x128xf32, #tpu.memory_space<vmem>>) dst(%dma_wait3A_41 : memref<480x128xf32, #tpu.memory_space<hbm>>)
      tpu.yield
    }) : () -> ()
    %add3A_15 = arith.constant 24960 : i32
    %add3A_16 = arith.addi %mul3A_2, %add3A_15 : i32
    %multiple_of3A_17 = tpu.assume_multiple %add3A_16, 8 : i32
    "tpu.region"() ({
      %run_scoped3A = tpu.sem_alloc : memref<!tpu.dma_semaphore, #tpu.memory_space<semaphore_mem>>
      %dma_start3A_34 = arith.constant 0 : i32
      %dma_start3A_35 = tpu.memref_slice %arg5[%dma_start3A_34] : memref<480xi32, #tpu.memory_space<vmem>> -> memref<40xi32, #tpu.memory_space<vmem>>
      %dma_start3A_36 = tpu.memref_slice %arg3[%multiple_of3A_17] : memref<800000xi32, #tpu.memory_space<hbm>> -> memref<40xi32, #tpu.memory_space<hbm>>
      %dma_start3A_37 = arith.constant 0 : i32
      %dma_start3A_38 = tpu.memref_slice %arg5[%dma_start3A_37] : memref<480xi32, #tpu.memory_space<vmem>> -> memref<40xi32, #tpu.memory_space<vmem>>
      %dma_start3A_39 = tpu.memref_slice %arg3[%multiple_of3A_17] : memref<800000xi32, #tpu.memory_space<hbm>> -> memref<40xi32, #tpu.memory_space<hbm>>
      tpu.enqueue_dma source(%dma_start3A_39 : memref<40xi32, #tpu.memory_space<hbm>>) target(%dma_start3A_38 : memref<40xi32, #tpu.memory_space<vmem>>) target_semaphore(%run_scoped3A : memref<!tpu.dma_semaphore, #tpu.memory_space<semaphore_mem>>)
      %dma_wait3A_40 = arith.constant 0 : i32
      %dma_wait3A_41 = tpu.memref_slice %arg5[%dma_wait3A_40] : memref<480xi32, #tpu.memory_space<vmem>> -> memref<40xi32, #tpu.memory_space<vmem>>
      %dma_wait3A_42 = tpu.memref_slice %arg3[%multiple_of3A_17] : memref<800000xi32, #tpu.memory_space<hbm>> -> memref<40xi32, #tpu.memory_space<hbm>>
      %dma_wait3A_43 = arith.constant 0 : i32
      %dma_wait3A_44 = tpu.memref_slice %arg5[%dma_wait3A_43] : memref<480xi32, #tpu.memory_space<vmem>> -> memref<40xi32, #tpu.memory_space<vmem>>
      %dma_wait3A_45 = tpu.memref_slice %arg3[%multiple_of3A_17] : memref<800000xi32, #tpu.memory_space<hbm>> -> memref<40xi32, #tpu.memory_space<hbm>>
      tpu.wait_dma2 semaphore(%run_scoped3A : memref<!tpu.dma_semaphore, #tpu.memory_space<semaphore_mem>>) src(%dma_wait3A_45 : memref<40xi32, #tpu.memory_space<hbm>>) dst(%dma_wait3A_44 : memref<40xi32, #tpu.memory_space<vmem>>)
      tpu.yield
    }) : () -> ()
    %dma_start3A_18 = arith.constant 0 : i32
    %dma_start3A_19 = arith.constant 0 : i32
    %dma_start3A_20 = tpu.memref_slice %arg7[%dma_start3A_18, %dma_start3A_19] : memref<480x128xf32, #tpu.memory_space<vmem>> -> memref<40x128xf32, #tpu.memory_space<vmem>>
    %dma_start3A_21 = arith.constant 0 : i32
    %dma_start3A_22 = tpu.memref_slice %arg5[%dma_start3A_21] : memref<480xi32, #tpu.memory_space<vmem>> -> memref<40xi32, #tpu.memory_space<vmem>>
    %dma_start3A_23 = arith.constant 0 : i32
    %dma_start3A_24 = arith.constant 0 : i32
    %dma_start3A_25 = tpu.memref_slice %arg2[%dma_start3A_23, %dma_start3A_24] : memref<50000x128xf32, #tpu.memory_space<hbm>> -> memref<50000x128xf32, #tpu.memory_space<hbm>>
    tpu.enqueue_indirect_dma source(%dma_start3A_25 : memref<50000x128xf32, #tpu.memory_space<hbm>>) target(%dma_start3A_20 : memref<40x128xf32, #tpu.memory_space<vmem>>) offsets(%dma_start3A_22 : memref<40xi32, #tpu.memory_space<vmem>>) semaphore(%arg9 : memref<!tpu.dma_semaphore, #tpu.memory_space<semaphore_mem>>)
    %dma_wait3A_26 = arith.constant 0 : i32
    %dma_wait3A_27 = arith.constant 0 : i32
    %dma_wait3A_28 = tpu.memref_slice %arg7[%dma_wait3A_26, %dma_wait3A_27] : memref<480x128xf32, #tpu.memory_space<vmem>> -> memref<40x128xf32, #tpu.memory_space<vmem>>
    %dma_wait3A_29 = arith.constant 0 : i32
    %dma_wait3A_30 = tpu.memref_slice %arg5[%dma_wait3A_29] : memref<480xi32, #tpu.memory_space<vmem>> -> memref<40xi32, #tpu.memory_space<vmem>>
    %dma_wait3A_31 = arith.constant 0 : i32
    %dma_wait3A_32 = arith.constant 0 : i32
    %dma_wait3A_33 = tpu.memref_slice %arg2[%dma_wait3A_31, %dma_wait3A_32] : memref<50000x128xf32, #tpu.memory_space<hbm>> -> memref<50000x128xf32, #tpu.memory_space<hbm>>
    tpu.wait_indirect_dma semaphore(%arg9 : memref<!tpu.dma_semaphore, #tpu.memory_space<semaphore_mem>>) src(%dma_wait3A_33 : memref<50000x128xf32, #tpu.memory_space<hbm>>) dst(%dma_wait3A_28 : memref<40x128xf32, #tpu.memory_space<vmem>>)
    "tpu.region"() ({
      %run_scoped3A = tpu.sem_alloc : memref<!tpu.dma_semaphore, #tpu.memory_space<semaphore_mem>>
      %dma_start3A_34 = arith.constant 0 : i32
      %dma_start3A_35 = arith.constant 0 : i32
      %dma_start3A_36 = tpu.memref_slice %arg7[%dma_start3A_34, %dma_start3A_35] : memref<480x128xf32, #tpu.memory_space<vmem>> -> memref<40x128xf32, #tpu.memory_space<vmem>>
      %dma_start3A_37 = arith.constant 0 : i32
      %dma_start3A_38 = tpu.memref_slice %arg4[%multiple_of3A_17, %dma_start3A_37] : memref<800000x128xf32, #tpu.memory_space<hbm>> -> memref<40x128xf32, #tpu.memory_space<hbm>>
      %dma_start3A_39 = arith.constant 0 : i32
      %dma_start3A_40 = tpu.memref_slice %arg4[%multiple_of3A_17, %dma_start3A_39] : memref<800000x128xf32, #tpu.memory_space<hbm>> -> memref<40x128xf32, #tpu.memory_space<hbm>>
      %dma_start3A_41 = arith.constant 0 : i32
      %dma_start3A_42 = arith.constant 0 : i32
      %dma_start3A_43 = tpu.memref_slice %arg7[%dma_start3A_41, %dma_start3A_42] : memref<480x128xf32, #tpu.memory_space<vmem>> -> memref<40x128xf32, #tpu.memory_space<vmem>>
      tpu.enqueue_dma source(%dma_start3A_43 : memref<40x128xf32, #tpu.memory_space<vmem>>) target(%dma_start3A_40 : memref<40x128xf32, #tpu.memory_space<hbm>>) target_semaphore(%run_scoped3A : memref<!tpu.dma_semaphore, #tpu.memory_space<semaphore_mem>>)
      %dma_wait3A_44 = arith.constant 0 : i32
      %dma_wait3A_45 = arith.constant 0 : i32
      %dma_wait3A_46 = tpu.memref_slice %arg7[%dma_wait3A_44, %dma_wait3A_45] : memref<480x128xf32, #tpu.memory_space<vmem>> -> memref<40x128xf32, #tpu.memory_space<vmem>>
      %dma_wait3A_47 = arith.constant 0 : i32
      %dma_wait3A_48 = tpu.memref_slice %arg4[%multiple_of3A_17, %dma_wait3A_47] : memref<800000x128xf32, #tpu.memory_space<hbm>> -> memref<40x128xf32, #tpu.memory_space<hbm>>
      %dma_wait3A_49 = arith.constant 0 : i32
      %dma_wait3A_50 = tpu.memref_slice %arg4[%multiple_of3A_17, %dma_wait3A_49] : memref<800000x128xf32, #tpu.memory_space<hbm>> -> memref<40x128xf32, #tpu.memory_space<hbm>>
      %dma_wait3A_51 = arith.constant 0 : i32
      %dma_wait3A_52 = arith.constant 0 : i32
      %dma_wait3A_53 = tpu.memref_slice %arg7[%dma_wait3A_51, %dma_wait3A_52] : memref<480x128xf32, #tpu.memory_space<vmem>> -> memref<40x128xf32, #tpu.memory_space<vmem>>
      tpu.wait_dma2 semaphore(%run_scoped3A : memref<!tpu.dma_semaphore, #tpu.memory_space<semaphore_mem>>) src(%dma_wait3A_53 : memref<40x128xf32, #tpu.memory_space<vmem>>) dst(%dma_wait3A_50 : memref<40x128xf32, #tpu.memory_space<hbm>>)
      tpu.yield
    }) : () -> ()
    return
  }
}

#map = affine_map<(d0, d1) -> (0, 0)>
#map1 = affine_map<(d0, d1) -> (0)>
module attributes {stable_mosaic.version = 14 : i64} {
  func.func @gather_k(%arg0: i32, %arg1: i32, %arg2: memref<50000x128xf32, #tpu.memory_space<hbm>>, %arg3: memref<800000xi32, #tpu.memory_space<hbm>>, %arg4: memref<800000x128xf32, #tpu.memory_space<hbm>>, %arg5: memref<480xi32, #tpu.memory_space<vmem>>, %arg6: memref<480xi32, #tpu.memory_space<vmem>>, %arg7: memref<480x128xf32, #tpu.memory_space<vmem>>, %arg8: memref<480x128xf32, #tpu.memory_space<vmem>>, %arg9: memref<!tpu.dma_semaphore, #tpu.memory_space<semaphore_mem>>) attributes {dimension_semantics = [#tpu.dimension_semantics<core_parallel>, #tpu.dimension_semantics<subcore_parallel>], iteration_bounds = array<i64: 2, 16>, scalar_prefetch = 0 : i64, scratch_operands = 5 : i64, tpu.core_type = #tpu.core_type<sc_vector_subcore>, window_params = [{transform_indices = #map}, {transform_indices = #map1}, {transform_indices = #map}]} {
    %mul3A = arith.constant 2 : i32
    %mul3A_0 = arith.muli %arg1, %mul3A : i32
    %add3A = arith.addi %mul3A_0, %arg0 : i32
    %mul3A_1 = arith.constant 25000 : i32
    %mul3A_2 = arith.muli %add3A, %mul3A_1 : i32
    %multiple_of3A = tpu.assume_multiple %mul3A_2, 8 : i32
    "tpu.region"() ({
      %run_scoped3A = tpu.sem_alloc : memref<!tpu.dma_semaphore, #tpu.memory_space<semaphore_mem>>
      %dma_start3A_34 = tpu.memref_slice %arg3[%multiple_of3A] : memref<800000xi32, #tpu.memory_space<hbm>> -> memref<480xi32, #tpu.memory_space<hbm>>
      %dma_start3A_35 = tpu.memref_slice %arg3[%multiple_of3A] : memref<800000xi32, #tpu.memory_space<hbm>> -> memref<480xi32, #tpu.memory_space<hbm>>
      tpu.enqueue_dma source(%dma_start3A_35 : memref<480xi32, #tpu.memory_space<hbm>>) target(%arg5 : memref<480xi32, #tpu.memory_space<vmem>>) target_semaphore(%run_scoped3A : memref<!tpu.dma_semaphore, #tpu.memory_space<semaphore_mem>>)
      %dma_wait3A_36 = tpu.memref_slice %arg3[%multiple_of3A] : memref<800000xi32, #tpu.memory_space<hbm>> -> memref<480xi32, #tpu.memory_space<hbm>>
      %dma_wait3A_37 = tpu.memref_slice %arg3[%multiple_of3A] : memref<800000xi32, #tpu.memory_space<hbm>> -> memref<480xi32, #tpu.memory_space<hbm>>
      tpu.wait_dma2 semaphore(%run_scoped3A : memref<!tpu.dma_semaphore, #tpu.memory_space<semaphore_mem>>) src(%dma_wait3A_37 : memref<480xi32, #tpu.memory_space<hbm>>) dst(%arg5 : memref<480xi32, #tpu.memory_space<vmem>>)
      tpu.yield
    }) : () -> ()
    %dma_start3A = arith.constant 0 : i32
    %dma_start3A_3 = arith.constant 0 : i32
    %dma_start3A_4 = tpu.memref_slice %arg2[%dma_start3A, %dma_start3A_3] : memref<50000x128xf32, #tpu.memory_space<hbm>> -> memref<50000x128xf32, #tpu.memory_space<hbm>>
    tpu.enqueue_indirect_dma source(%dma_start3A_4 : memref<50000x128xf32, #tpu.memory_space<hbm>>) target(%arg7 : memref<480x128xf32, #tpu.memory_space<vmem>>) offsets(%arg5 : memref<480xi32, #tpu.memory_space<vmem>>) semaphore(%arg9 : memref<!tpu.dma_semaphore, #tpu.memory_space<semaphore_mem>>)
    %scan3A = arith.constant 0 : i32
    %scan3A_5 = arith.constant 1 : i32
    %scan3A_6 = arith.constant 51 : i32
    %scan3A_7 = arith.addi %scan3A_5, %scan3A_6 : i32
    %scan3A_8 = arith.constant 1 : i32
    scf.for %scan3A_34 = %scan3A_5 to %scan3A_7 step %scan3A_8  : i32 {
      %rem3A = arith.constant 2 : i32
      %rem3A_35 = arith.remsi %scan3A_34, %rem3A : i32
      %mul3A_36 = arith.constant 480 : i32
      %mul3A_37 = arith.muli %scan3A_34, %mul3A_36 : i32
      %add3A_38 = arith.addi %mul3A_2, %mul3A_37 : i32
      %multiple_of3A_39 = tpu.assume_multiple %add3A_38, 8 : i32
      %sub3A = arith.constant 1 : i32
      %sub3A_40 = arith.subi %scan3A_34, %sub3A : i32
      %mul3A_41 = arith.constant 480 : i32
      %mul3A_42 = arith.muli %sub3A_40, %mul3A_41 : i32
      %add3A_43 = arith.addi %mul3A_2, %mul3A_42 : i32
      %multiple_of3A_44 = tpu.assume_multiple %add3A_43, 8 : i32
      %eq3A = arith.constant 1 : i32
      %eq3A_45 = arith.cmpi eq, %rem3A_35, %eq3A : i32
      %convert_element_type3A = arith.extui %eq3A_45 : i1 to i32
      %cond3A = arith.constant 0 : i32
      %cond3A_46 = arith.cmpi ne, %convert_element_type3A, %cond3A : i32
      scf.if %cond3A_46 {
        "tpu.region"() ({
          %run_scoped3A = tpu.sem_alloc : memref<!tpu.dma_semaphore, #tpu.memory_space<semaphore_mem>>
          %dma_start3A_58 = tpu.memref_slice %arg3[%multiple_of3A_39] : memref<800000xi32, #tpu.memory_space<hbm>> -> memref<480xi32, #tpu.memory_space<hbm>>
          %dma_start3A_59 = tpu.memref_slice %arg3[%multiple_of3A_39] : memref<800000xi32, #tpu.memory_space<hbm>> -> memref<480xi32, #tpu.memory_space<hbm>>
          tpu.enqueue_dma source(%dma_start3A_59 : memref<480xi32, #tpu.memory_space<hbm>>) target(%arg6 : memref<480xi32, #tpu.memory_space<vmem>>) target_semaphore(%run_scoped3A : memref<!tpu.dma_semaphore, #tpu.memory_space<semaphore_mem>>)
          %dma_wait3A_60 = tpu.memref_slice %arg3[%multiple_of3A_39] : memref<800000xi32, #tpu.memory_space<hbm>> -> memref<480xi32, #tpu.memory_space<hbm>>
          %dma_wait3A_61 = tpu.memref_slice %arg3[%multiple_of3A_39] : memref<800000xi32, #tpu.memory_space<hbm>> -> memref<480xi32, #tpu.memory_space<hbm>>
          tpu.wait_dma2 semaphore(%run_scoped3A : memref<!tpu.dma_semaphore, #tpu.memory_space<semaphore_mem>>) src(%dma_wait3A_61 : memref<480xi32, #tpu.memory_space<hbm>>) dst(%arg6 : memref<480xi32, #tpu.memory_space<vmem>>)
          tpu.yield
        }) : () -> ()
        %dma_wait3A_52 = arith.constant 0 : i32
        %dma_wait3A_53 = arith.constant 0 : i32
        %dma_wait3A_54 = tpu.memref_slice %arg2[%dma_wait3A_52, %dma_wait3A_53] : memref<50000x128xf32, #tpu.memory_space<hbm>> -> memref<50000x128xf32, #tpu.memory_space<hbm>>
        tpu.wait_indirect_dma semaphore(%arg9 : memref<!tpu.dma_semaphore, #tpu.memory_space<semaphore_mem>>) src(%dma_wait3A_54 : memref<50000x128xf32, #tpu.memory_space<hbm>>) dst(%arg7 : memref<480x128xf32, #tpu.memory_space<vmem>>)
        %dma_start3A_55 = arith.constant 0 : i32
        %dma_start3A_56 = arith.constant 0 : i32
        %dma_start3A_57 = tpu.memref_slice %arg2[%dma_start3A_55, %dma_start3A_56] : memref<50000x128xf32, #tpu.memory_space<hbm>> -> memref<50000x128xf32, #tpu.memory_space<hbm>>
        tpu.enqueue_indirect_dma source(%dma_start3A_57 : memref<50000x128xf32, #tpu.memory_space<hbm>>) target(%arg8 : memref<480x128xf32, #tpu.memory_space<vmem>>) offsets(%arg6 : memref<480xi32, #tpu.memory_space<vmem>>) semaphore(%arg9 : memref<!tpu.dma_semaphore, #tpu.memory_space<semaphore_mem>>)
        "tpu.region"() ({
          %run_scoped3A = tpu.sem_alloc : memref<!tpu.dma_semaphore, #tpu.memory_space<semaphore_mem>>
          %dma_start3A_58 = arith.constant 0 : i32
          %dma_start3A_59 = tpu.memref_slice %arg4[%multiple_of3A_44, %dma_start3A_58] : memref<800000x128xf32, #tpu.memory_space<hbm>> -> memref<480x128xf32, #tpu.memory_space<hbm>>
          %dma_start3A_60 = arith.constant 0 : i32
          %dma_start3A_61 = tpu.memref_slice %arg4[%multiple_of3A_44, %dma_start3A_60] : memref<800000x128xf32, #tpu.memory_space<hbm>> -> memref<480x128xf32, #tpu.memory_space<hbm>>
          tpu.enqueue_dma source(%arg7 : memref<480x128xf32, #tpu.memory_space<vmem>>) target(%dma_start3A_61 : memref<480x128xf32, #tpu.memory_space<hbm>>) target_semaphore(%run_scoped3A : memref<!tpu.dma_semaphore, #tpu.memory_space<semaphore_mem>>)
          %dma_wait3A_62 = arith.constant 0 : i32
          %dma_wait3A_63 = tpu.memref_slice %arg4[%multiple_of3A_44, %dma_wait3A_62] : memref<800000x128xf32, #tpu.memory_space<hbm>> -> memref<480x128xf32, #tpu.memory_space<hbm>>
          %dma_wait3A_64 = arith.constant 0 : i32
          %dma_wait3A_65 = tpu.memref_slice %arg4[%multiple_of3A_44, %dma_wait3A_64] : memref<800000x128xf32, #tpu.memory_space<hbm>> -> memref<480x128xf32, #tpu.memory_space<hbm>>
          tpu.wait_dma2 semaphore(%run_scoped3A : memref<!tpu.dma_semaphore, #tpu.memory_space<semaphore_mem>>) src(%arg7 : memref<480x128xf32, #tpu.memory_space<vmem>>) dst(%dma_wait3A_65 : memref<480x128xf32, #tpu.memory_space<hbm>>)
          tpu.yield
        }) : () -> ()
      } else {
      }
      %eq3A_47 = arith.constant 0 : i32
      %eq3A_48 = arith.cmpi eq, %rem3A_35, %eq3A_47 : i32
      %convert_element_type3A_49 = arith.extui %eq3A_48 : i1 to i32
      %cond3A_50 = arith.constant 0 : i32
      %cond3A_51 = arith.cmpi ne, %convert_element_type3A_49, %cond3A_50 : i32
      scf.if %cond3A_51 {
        "tpu.region"() ({
          %run_scoped3A = tpu.sem_alloc : memref<!tpu.dma_semaphore, #tpu.memory_space<semaphore_mem>>
          %dma_start3A_58 = tpu.memref_slice %arg3[%multiple_of3A_39] : memref<800000xi32, #tpu.memory_space<hbm>> -> memref<480xi32, #tpu.memory_space<hbm>>
          %dma_start3A_59 = tpu.memref_slice %arg3[%multiple_of3A_39] : memref<800000xi32, #tpu.memory_space<hbm>> -> memref<480xi32, #tpu.memory_space<hbm>>
          tpu.enqueue_dma source(%dma_start3A_59 : memref<480xi32, #tpu.memory_space<hbm>>) target(%arg5 : memref<480xi32, #tpu.memory_space<vmem>>) target_semaphore(%run_scoped3A : memref<!tpu.dma_semaphore, #tpu.memory_space<semaphore_mem>>)
          %dma_wait3A_60 = tpu.memref_slice %arg3[%multiple_of3A_39] : memref<800000xi32, #tpu.memory_space<hbm>> -> memref<480xi32, #tpu.memory_space<hbm>>
          %dma_wait3A_61 = tpu.memref_slice %arg3[%multiple_of3A_39] : memref<800000xi32, #tpu.memory_space<hbm>> -> memref<480xi32, #tpu.memory_space<hbm>>
          tpu.wait_dma2 semaphore(%run_scoped3A : memref<!tpu.dma_semaphore, #tpu.memory_space<semaphore_mem>>) src(%dma_wait3A_61 : memref<480xi32, #tpu.memory_space<hbm>>) dst(%arg5 : memref<480xi32, #tpu.memory_space<vmem>>)
          tpu.yield
        }) : () -> ()
        %dma_wait3A_52 = arith.constant 0 : i32
        %dma_wait3A_53 = arith.constant 0 : i32
        %dma_wait3A_54 = tpu.memref_slice %arg2[%dma_wait3A_52, %dma_wait3A_53] : memref<50000x128xf32, #tpu.memory_space<hbm>> -> memref<50000x128xf32, #tpu.memory_space<hbm>>
        tpu.wait_indirect_dma semaphore(%arg9 : memref<!tpu.dma_semaphore, #tpu.memory_space<semaphore_mem>>) src(%dma_wait3A_54 : memref<50000x128xf32, #tpu.memory_space<hbm>>) dst(%arg8 : memref<480x128xf32, #tpu.memory_space<vmem>>)
        %dma_start3A_55 = arith.constant 0 : i32
        %dma_start3A_56 = arith.constant 0 : i32
        %dma_start3A_57 = tpu.memref_slice %arg2[%dma_start3A_55, %dma_start3A_56] : memref<50000x128xf32, #tpu.memory_space<hbm>> -> memref<50000x128xf32, #tpu.memory_space<hbm>>
        tpu.enqueue_indirect_dma source(%dma_start3A_57 : memref<50000x128xf32, #tpu.memory_space<hbm>>) target(%arg7 : memref<480x128xf32, #tpu.memory_space<vmem>>) offsets(%arg5 : memref<480xi32, #tpu.memory_space<vmem>>) semaphore(%arg9 : memref<!tpu.dma_semaphore, #tpu.memory_space<semaphore_mem>>)
        "tpu.region"() ({
          %run_scoped3A = tpu.sem_alloc : memref<!tpu.dma_semaphore, #tpu.memory_space<semaphore_mem>>
          %dma_start3A_58 = arith.constant 0 : i32
          %dma_start3A_59 = tpu.memref_slice %arg4[%multiple_of3A_44, %dma_start3A_58] : memref<800000x128xf32, #tpu.memory_space<hbm>> -> memref<480x128xf32, #tpu.memory_space<hbm>>
          %dma_start3A_60 = arith.constant 0 : i32
          %dma_start3A_61 = tpu.memref_slice %arg4[%multiple_of3A_44, %dma_start3A_60] : memref<800000x128xf32, #tpu.memory_space<hbm>> -> memref<480x128xf32, #tpu.memory_space<hbm>>
          tpu.enqueue_dma source(%arg8 : memref<480x128xf32, #tpu.memory_space<vmem>>) target(%dma_start3A_61 : memref<480x128xf32, #tpu.memory_space<hbm>>) target_semaphore(%run_scoped3A : memref<!tpu.dma_semaphore, #tpu.memory_space<semaphore_mem>>)
          %dma_wait3A_62 = arith.constant 0 : i32
          %dma_wait3A_63 = tpu.memref_slice %arg4[%multiple_of3A_44, %dma_wait3A_62] : memref<800000x128xf32, #tpu.memory_space<hbm>> -> memref<480x128xf32, #tpu.memory_space<hbm>>
          %dma_wait3A_64 = arith.constant 0 : i32
          %dma_wait3A_65 = tpu.memref_slice %arg4[%multiple_of3A_44, %dma_wait3A_64] : memref<800000x128xf32, #tpu.memory_space<hbm>> -> memref<480x128xf32, #tpu.memory_space<hbm>>
          tpu.wait_dma2 semaphore(%run_scoped3A : memref<!tpu.dma_semaphore, #tpu.memory_space<semaphore_mem>>) src(%arg8 : memref<480x128xf32, #tpu.memory_space<vmem>>) dst(%dma_wait3A_65 : memref<480x128xf32, #tpu.memory_space<hbm>>)
          tpu.yield
        }) : () -> ()
      } else {
      }
    }
    %scan3A_9 = arith.constant 51 : i32
    %add3A_10 = arith.constant 24480 : i32
    %add3A_11 = arith.addi %mul3A_2, %add3A_10 : i32
    %multiple_of3A_12 = tpu.assume_multiple %add3A_11, 8 : i32
    %dma_wait3A = arith.constant 0 : i32
    %dma_wait3A_13 = arith.constant 0 : i32
    %dma_wait3A_14 = tpu.memref_slice %arg2[%dma_wait3A, %dma_wait3A_13] : memref<50000x128xf32, #tpu.memory_space<hbm>> -> memref<50000x128xf32, #tpu.memory_space<hbm>>
    tpu.wait_indirect_dma semaphore(%arg9 : memref<!tpu.dma_semaphore, #tpu.memory_space<semaphore_mem>>) src(%dma_wait3A_14 : memref<50000x128xf32, #tpu.memory_space<hbm>>) dst(%arg8 : memref<480x128xf32, #tpu.memory_space<vmem>>)
    "tpu.region"() ({
      %run_scoped3A = tpu.sem_alloc : memref<!tpu.dma_semaphore, #tpu.memory_space<semaphore_mem>>
      %dma_start3A_34 = arith.constant 0 : i32
      %dma_start3A_35 = tpu.memref_slice %arg4[%multiple_of3A_12, %dma_start3A_34] : memref<800000x128xf32, #tpu.memory_space<hbm>> -> memref<480x128xf32, #tpu.memory_space<hbm>>
      %dma_start3A_36 = arith.constant 0 : i32
      %dma_start3A_37 = tpu.memref_slice %arg4[%multiple_of3A_12, %dma_start3A_36] : memref<800000x128xf32, #tpu.memory_space<hbm>> -> memref<480x128xf32, #tpu.memory_space<hbm>>
      tpu.enqueue_dma source(%arg8 : memref<480x128xf32, #tpu.memory_space<vmem>>) target(%dma_start3A_37 : memref<480x128xf32, #tpu.memory_space<hbm>>) target_semaphore(%run_scoped3A : memref<!tpu.dma_semaphore, #tpu.memory_space<semaphore_mem>>)
      %dma_wait3A_38 = arith.constant 0 : i32
      %dma_wait3A_39 = tpu.memref_slice %arg4[%multiple_of3A_12, %dma_wait3A_38] : memref<800000x128xf32, #tpu.memory_space<hbm>> -> memref<480x128xf32, #tpu.memory_space<hbm>>
      %dma_wait3A_40 = arith.constant 0 : i32
      %dma_wait3A_41 = tpu.memref_slice %arg4[%multiple_of3A_12, %dma_wait3A_40] : memref<800000x128xf32, #tpu.memory_space<hbm>> -> memref<480x128xf32, #tpu.memory_space<hbm>>
      tpu.wait_dma2 semaphore(%run_scoped3A : memref<!tpu.dma_semaphore, #tpu.memory_space<semaphore_mem>>) src(%arg8 : memref<480x128xf32, #tpu.memory_space<vmem>>) dst(%dma_wait3A_41 : memref<480x128xf32, #tpu.memory_space<hbm>>)
      tpu.yield
    }) : () -> ()
    %add3A_15 = arith.constant 24960 : i32
    %add3A_16 = arith.addi %mul3A_2, %add3A_15 : i32
    %multiple_of3A_17 = tpu.assume_multiple %add3A_16, 8 : i32
    "tpu.region"() ({
      %run_scoped3A = tpu.sem_alloc : memref<!tpu.dma_semaphore, #tpu.memory_space<semaphore_mem>>
      %dma_start3A_34 = arith.constant 0 : i32
      %dma_start3A_35 = tpu.memref_slice %arg5[%dma_start3A_34] : memref<480xi32, #tpu.memory_space<vmem>> -> memref<40xi32, #tpu.memory_space<vmem>>
      %dma_start3A_36 = tpu.memref_slice %arg3[%multiple_of3A_17] : memref<800000xi32, #tpu.memory_space<hbm>> -> memref<40xi32, #tpu.memory_space<hbm>>
      %dma_start3A_37 = arith.constant 0 : i32
      %dma_start3A_38 = tpu.memref_slice %arg5[%dma_start3A_37] : memref<480xi32, #tpu.memory_space<vmem>> -> memref<40xi32, #tpu.memory_space<vmem>>
      %dma_start3A_39 = tpu.memref_slice %arg3[%multiple_of3A_17] : memref<800000xi32, #tpu.memory_space<hbm>> -> memref<40xi32, #tpu.memory_space<hbm>>
      tpu.enqueue_dma source(%dma_start3A_39 : memref<40xi32, #tpu.memory_space<hbm>>) target(%dma_start3A_38 : memref<40xi32, #tpu.memory_space<vmem>>) target_semaphore(%run_scoped3A : memref<!tpu.dma_semaphore, #tpu.memory_space<semaphore_mem>>)
      %dma_wait3A_40 = arith.constant 0 : i32
      %dma_wait3A_41 = tpu.memref_slice %arg5[%dma_wait3A_40] : memref<480xi32, #tpu.memory_space<vmem>> -> memref<40xi32, #tpu.memory_space<vmem>>
      %dma_wait3A_42 = tpu.memref_slice %arg3[%multiple_of3A_17] : memref<800000xi32, #tpu.memory_space<hbm>> -> memref<40xi32, #tpu.memory_space<hbm>>
      %dma_wait3A_43 = arith.constant 0 : i32
      %dma_wait3A_44 = tpu.memref_slice %arg5[%dma_wait3A_43] : memref<480xi32, #tpu.memory_space<vmem>> -> memref<40xi32, #tpu.memory_space<vmem>>
      %dma_wait3A_45 = tpu.memref_slice %arg3[%multiple_of3A_17] : memref<800000xi32, #tpu.memory_space<hbm>> -> memref<40xi32, #tpu.memory_space<hbm>>
      tpu.wait_dma2 semaphore(%run_scoped3A : memref<!tpu.dma_semaphore, #tpu.memory_space<semaphore_mem>>) src(%dma_wait3A_45 : memref<40xi32, #tpu.memory_space<hbm>>) dst(%dma_wait3A_44 : memref<40xi32, #tpu.memory_space<vmem>>)
      tpu.yield
    }) : () -> ()
    %dma_start3A_18 = arith.constant 0 : i32
    %dma_start3A_19 = arith.constant 0 : i32
    %dma_start3A_20 = tpu.memref_slice %arg7[%dma_start3A_18, %dma_start3A_19] : memref<480x128xf32, #tpu.memory_space<vmem>> -> memref<40x128xf32, #tpu.memory_space<vmem>>
    %dma_start3A_21 = arith.constant 0 : i32
    %dma_start3A_22 = tpu.memref_slice %arg5[%dma_start3A_21] : memref<480xi32, #tpu.memory_space<vmem>> -> memref<40xi32, #tpu.memory_space<vmem>>
    %dma_start3A_23 = arith.constant 0 : i32
    %dma_start3A_24 = arith.constant 0 : i32
    %dma_start3A_25 = tpu.memref_slice %arg2[%dma_start3A_23, %dma_start3A_24] : memref<50000x128xf32, #tpu.memory_space<hbm>> -> memref<50000x128xf32, #tpu.memory_space<hbm>>
    tpu.enqueue_indirect_dma source(%dma_start3A_25 : memref<50000x128xf32, #tpu.memory_space<hbm>>) target(%dma_start3A_20 : memref<40x128xf32, #tpu.memory_space<vmem>>) offsets(%dma_start3A_22 : memref<40xi32, #tpu.memory_space<vmem>>) semaphore(%arg9 : memref<!tpu.dma_semaphore, #tpu.memory_space<semaphore_mem>>)
    %dma_wait3A_26 = arith.constant 0 : i32
    %dma_wait3A_27 = arith.constant 0 : i32
    %dma_wait3A_28 = tpu.memref_slice %arg7[%dma_wait3A_26, %dma_wait3A_27] : memref<480x128xf32, #tpu.memory_space<vmem>> -> memref<40x128xf32, #tpu.memory_space<vmem>>
    %dma_wait3A_29 = arith.constant 0 : i32
    %dma_wait3A_30 = tpu.memref_slice %arg5[%dma_wait3A_29] : memref<480xi32, #tpu.memory_space<vmem>> -> memref<40xi32, #tpu.memory_space<vmem>>
    %dma_wait3A_31 = arith.constant 0 : i32
    %dma_wait3A_32 = arith.constant 0 : i32
    %dma_wait3A_33 = tpu.memref_slice %arg2[%dma_wait3A_31, %dma_wait3A_32] : memref<50000x128xf32, #tpu.memory_space<hbm>> -> memref<50000x128xf32, #tpu.memory_space<hbm>>
    tpu.wait_indirect_dma semaphore(%arg9 : memref<!tpu.dma_semaphore, #tpu.memory_space<semaphore_mem>>) src(%dma_wait3A_33 : memref<50000x128xf32, #tpu.memory_space<hbm>>) dst(%dma_wait3A_28 : memref<40x128xf32, #tpu.memory_space<vmem>>)
    "tpu.region"() ({
      %run_scoped3A = tpu.sem_alloc : memref<!tpu.dma_semaphore, #tpu.memory_space<semaphore_mem>>
      %dma_start3A_34 = arith.constant 0 : i32
      %dma_start3A_35 = arith.constant 0 : i32
      %dma_start3A_36 = tpu.memref_slice %arg7[%dma_start3A_34, %dma_start3A_35] : memref<480x128xf32, #tpu.memory_space<vmem>> -> memref<40x128xf32, #tpu.memory_space<vmem>>
      %dma_start3A_37 = arith.constant 0 : i32
      %dma_start3A_38 = tpu.memref_slice %arg4[%multiple_of3A_17, %dma_start3A_37] : memref<800000x128xf32, #tpu.memory_space<hbm>> -> memref<40x128xf32, #tpu.memory_space<hbm>>
      %dma_start3A_39 = arith.constant 0 : i32
      %dma_start3A_40 = tpu.memref_slice %arg4[%multiple_of3A_17, %dma_start3A_39] : memref<800000x128xf32, #tpu.memory_space<hbm>> -> memref<40x128xf32, #tpu.memory_space<hbm>>
      %dma_start3A_41 = arith.constant 0 : i32
      %dma_start3A_42 = arith.constant 0 : i32
      %dma_start3A_43 = tpu.memref_slice %arg7[%dma_start3A_41, %dma_start3A_42] : memref<480x128xf32, #tpu.memory_space<vmem>> -> memref<40x128xf32, #tpu.memory_space<vmem>>
      tpu.enqueue_dma source(%dma_start3A_43 : memref<40x128xf32, #tpu.memory_space<vmem>>) target(%dma_start3A_40 : memref<40x128xf32, #tpu.memory_space<hbm>>) target_semaphore(%run_scoped3A : memref<!tpu.dma_semaphore, #tpu.memory_space<semaphore_mem>>)
      %dma_wait3A_44 = arith.constant 0 : i32
      %dma_wait3A_45 = arith.constant 0 : i32
      %dma_wait3A_46 = tpu.memref_slice %arg7[%dma_wait3A_44, %dma_wait3A_45] : memref<480x128xf32, #tpu.memory_space<vmem>> -> memref<40x128xf32, #tpu.memory_space<vmem>>
      %dma_wait3A_47 = arith.constant 0 : i32
      %dma_wait3A_48 = tpu.memref_slice %arg4[%multiple_of3A_17, %dma_wait3A_47] : memref<800000x128xf32, #tpu.memory_space<hbm>> -> memref<40x128xf32, #tpu.memory_space<hbm>>
      %dma_wait3A_49 = arith.constant 0 : i32
      %dma_wait3A_50 = tpu.memref_slice %arg4[%multiple_of3A_17, %dma_wait3A_49] : memref<800000x128xf32, #tpu.memory_space<hbm>> -> memref<40x128xf32, #tpu.memory_space<hbm>>
      %dma_wait3A_51 = arith.constant 0 : i32
      %dma_wait3A_52 = arith.constant 0 : i32
      %dma_wait3A_53 = tpu.memref_slice %arg7[%dma_wait3A_51, %dma_wait3A_52] : memref<480x128xf32, #tpu.memory_space<vmem>> -> memref<40x128xf32, #tpu.memory_space<vmem>>
      tpu.wait_dma2 semaphore(%run_scoped3A : memref<!tpu.dma_semaphore, #tpu.memory_space<semaphore_mem>>) src(%dma_wait3A_53 : memref<40x128xf32, #tpu.memory_space<vmem>>) dst(%dma_wait3A_50 : memref<40x128xf32, #tpu.memory_space<hbm>>)
      tpu.yield
    }) : () -> ()
    return
  }
}

module attributes {stable_mosaic.version = 14 : i64} {
  func.func @body(%arg0: i32, %arg1: memref<2000x92xf32, #tpu.memory_space<vmem>>, %arg2: memref<92x64xf32, #tpu.memory_space<vmem>>, %arg3: memref<1x64xf32, #tpu.memory_space<vmem>>, %arg4: memref<64x128xf32, #tpu.memory_space<vmem>>, %arg5: memref<64x128xf32, #tpu.memory_space<vmem>>, %arg6: memref<1x128xf32, #tpu.memory_space<vmem>>, %arg7: memref<2000x64xf32, #tpu.memory_space<vmem>>, %arg8: memref<2000x128xf32, #tpu.memory_space<vmem>>, %arg9: memref<2000x128xf32, #tpu.memory_space<vmem>>) attributes {dimension_semantics = [#tpu.dimension_semantics<arbitrary>], iteration_bounds = array<i64: 25>, scalar_prefetch = 0 : i64, scratch_operands = 0 : i64, tpu.core_type = #tpu.core_type<tc>, window_params = [{transform_indices = @transform_0, window_bounds = array<i64: 2000, 92>}, {pipeline_mode = #tpu.pipeline_mode<synchronous>, transform_indices = @transform_1, window_bounds = array<i64: 92, 64>}, {pipeline_mode = #tpu.pipeline_mode<synchronous>, transform_indices = @transform_2, window_bounds = array<i64: 1, 64>}, {pipeline_mode = #tpu.pipeline_mode<synchronous>, transform_indices = @transform_3, window_bounds = array<i64: 64, 128>}, {pipeline_mode = #tpu.pipeline_mode<synchronous>, transform_indices = @transform_4, window_bounds = array<i64: 64, 128>}, {pipeline_mode = #tpu.pipeline_mode<synchronous>, transform_indices = @transform_5, window_bounds = array<i64: 1, 128>}, {transform_indices = @transform_6, window_bounds = array<i64: 2000, 64>}, {transform_indices = @transform_7, window_bounds = array<i64: 2000, 128>}, {transform_indices = @transform_8, window_bounds = array<i64: 2000, 128>}]} {
    %get3A = arith.constant 0 : index
    %get3A_0 = arith.constant 0 : index
    %get3A_1 = vector.load %arg1[%get3A, %get3A_0] : memref<2000x92xf32, #tpu.memory_space<vmem>>, vector<2000x92xf32>
    %get3A_2 = arith.constant 0 : index
    %get3A_3 = arith.constant 0 : index
    %get3A_4 = vector.load %arg2[%get3A_2, %get3A_3] : memref<92x64xf32, #tpu.memory_space<vmem>>, vector<92x64xf32>
    %dot_general3A = arith.constant dense<0.000000e+00> : vector<2000x64xf32>
    %dot_general3A_5 = tpu.matmul %get3A_1, %get3A_4, %dot_general3A {dimension_numbers = #tpu.dot_dimension_numbers<[1], [0], [0], [1], [0, 0, 1, 1], [], []>, transpose_lhs_hint = false} : vector<2000x92xf32>, vector<92x64xf32>, vector<2000x64xf32> -> vector<2000x64xf32>
    %get3A_6 = arith.constant 0 : index
    %get3A_7 = arith.constant 0 : index
    %get3A_8 = vector.load %arg3[%get3A_6, %get3A_7] : memref<1x64xf32, #tpu.memory_space<vmem>>, vector<1x64xf32>
    %add3A = vector.broadcast %get3A_8 : vector<1x64xf32> to vector<2000x64xf32>
    %add3A_9 = arith.addf %dot_general3A_5, %add3A : vector<2000x64xf32>
    %swap3A = arith.constant 0 : index
    %swap3A_10 = arith.constant 0 : index
    %swap3A_11 = vector.load %arg7[%swap3A, %swap3A_10] : memref<2000x64xf32, #tpu.memory_space<vmem>>, vector<2000x64xf32>
    tpu.vector_store %arg7[%swap3A, %swap3A_10], %add3A_9 {strides = array<i32>} : memref<2000x64xf32, #tpu.memory_space<vmem>>, vector<2000x64xf32>,
    %get3A_12 = arith.constant 0 : index
    %get3A_13 = arith.constant 0 : index
    %get3A_14 = vector.load %arg4[%get3A_12, %get3A_13] : memref<64x128xf32, #tpu.memory_space<vmem>>, vector<64x128xf32>
    %dot_general3A_15 = arith.constant dense<0.000000e+00> : vector<2000x128xf32>
    %dot_general3A_16 = tpu.matmul %add3A_9, %get3A_14, %dot_general3A_15 {dimension_numbers = #tpu.dot_dimension_numbers<[1], [0], [0], [1], [0, 0, 1, 1], [], []>, transpose_lhs_hint = false} : vector<2000x64xf32>, vector<64x128xf32>, vector<2000x128xf32> -> vector<2000x128xf32>
    %swap3A_17 = arith.constant 0 : index
    %swap3A_18 = arith.constant 0 : index
    %swap3A_19 = vector.load %arg8[%swap3A_17, %swap3A_18] : memref<2000x128xf32, #tpu.memory_space<vmem>>, vector<2000x128xf32>
    tpu.vector_store %arg8[%swap3A_17, %swap3A_18], %dot_general3A_16 {strides = array<i32>} : memref<2000x128xf32, #tpu.memory_space<vmem>>, vector<2000x128xf32>,
    %get3A_20 = arith.constant 0 : index
    %get3A_21 = arith.constant 0 : index
    %get3A_22 = vector.load %arg5[%get3A_20, %get3A_21] : memref<64x128xf32, #tpu.memory_space<vmem>>, vector<64x128xf32>
    %dot_general3A_23 = arith.constant dense<0.000000e+00> : vector<2000x128xf32>
    %dot_general3A_24 = tpu.matmul %add3A_9, %get3A_22, %dot_general3A_23 {dimension_numbers = #tpu.dot_dimension_numbers<[1], [0], [0], [1], [0, 0, 1, 1], [], []>, transpose_lhs_hint = false} : vector<2000x64xf32>, vector<64x128xf32>, vector<2000x128xf32> -> vector<2000x128xf32>
    %get3A_25 = arith.constant 0 : index
    %get3A_26 = arith.constant 0 : index
    %get3A_27 = vector.load %arg6[%get3A_25, %get3A_26] : memref<1x128xf32, #tpu.memory_space<vmem>>, vector<1x128xf32>
    %add3A_28 = vector.broadcast %get3A_27 : vector<1x128xf32> to vector<2000x128xf32>
    %add3A_29 = arith.addf %dot_general3A_24, %add3A_28 : vector<2000x128xf32>
    %swap3A_30 = arith.constant 0 : index
    %swap3A_31 = arith.constant 0 : index
    %swap3A_32 = vector.load %arg9[%swap3A_30, %swap3A_31] : memref<2000x128xf32, #tpu.memory_space<vmem>>, vector<2000x128xf32>
    tpu.vector_store %arg9[%swap3A_30, %swap3A_31], %add3A_29 {strides = array<i32>} : memref<2000x128xf32, #tpu.memory_space<vmem>>, vector<2000x128xf32>,
    return
  }
  func.func @transform_0(%arg0: i32) -> (i32, i32) {
    %c0_i32 = arith.constant 0 : i32
    %c0_i32_0 = arith.constant 0 : i32
    return %arg0, %c0_i32 : i32, i32
  }
  func.func @transform_1(%arg0: i32) -> (i32, i32) {
    %c0_i32 = arith.constant 0 : i32
    %c0_i32_0 = arith.constant 0 : i32
    %c0_i32_1 = arith.constant 0 : i32
    return %c0_i32, %c0_i32_0 : i32, i32
  }
  func.func @transform_2(%arg0: i32) -> (i32, i32) {
    %c0_i32 = arith.constant 0 : i32
    %c0_i32_0 = arith.constant 0 : i32
    %c0_i32_1 = arith.constant 0 : i32
    return %c0_i32, %c0_i32_0 : i32, i32
  }
  func.func @transform_3(%arg0: i32) -> (i32, i32) {
    %c0_i32 = arith.constant 0 : i32
    %c0_i32_0 = arith.constant 0 : i32
    %c0_i32_1 = arith.constant 0 : i32
    return %c0_i32, %c0_i32_0 : i32, i32
  }
  func.func @transform_4(%arg0: i32) -> (i32, i32) {
    %c0_i32 = arith.constant 0 : i32
    %c0_i32_0 = arith.constant 0 : i32
    %c0_i32_1 = arith.constant 0 : i32
    return %c0_i32, %c0_i32_0 : i32, i32
  }
  func.func @transform_5(%arg0: i32) -> (i32, i32) {
    %c0_i32 = arith.constant 0 : i32
    %c0_i32_0 = arith.constant 0 : i32
    %c0_i32_1 = arith.constant 0 : i32
    return %c0_i32, %c0_i32_0 : i32, i32
  }
  func.func @transform_6(%arg0: i32) -> (i32, i32) {
    %c0_i32 = arith.constant 0 : i32
    %c0_i32_0 = arith.constant 0 : i32
    return %arg0, %c0_i32 : i32, i32
  }
  func.func @transform_7(%arg0: i32) -> (i32, i32) {
    %c0_i32 = arith.constant 0 : i32
    %c0_i32_0 = arith.constant 0 : i32
    return %arg0, %c0_i32 : i32, i32
  }
  func.func @transform_8(%arg0: i32) -> (i32, i32) {
    %c0_i32 = arith.constant 0 : i32
    %c0_i32_0 = arith.constant 0 : i32
    return %arg0, %c0_i32 : i32, i32
  }
}

module attributes {stable_mosaic.version = 14 : i64} {
  func.func @body(%arg0: i32, %arg1: memref<6400x128xf32, #tpu.memory_space<vmem>>, %arg2: memref<400x128xf32, #tpu.memory_space<vmem>>, %arg3: memref<400x16x41xbf16, #tpu.memory_space<vmem>>, %arg4: memref<41x128xbf16, #tpu.memory_space<vmem>>, %arg5: memref<6400x128xbf16, #tpu.memory_space<vmem>>, %arg6: memref<2x128xf32, #tpu.memory_space<vmem>>) attributes {dimension_semantics = [#tpu.dimension_semantics<arbitrary>], iteration_bounds = array<i64: 125>, scalar_prefetch = 0 : i64, scratch_operands = 0 : i64, tpu.core_type = #tpu.core_type<tc>, window_params = [{transform_indices = @transform_0, window_bounds = array<i64: 6400, 128>}, {transform_indices = @transform_1, window_bounds = array<i64: 400, 128>}, {transform_indices = @transform_2, window_bounds = array<i64: 400, 16, 41>}, {pipeline_mode = #tpu.pipeline_mode<synchronous>, transform_indices = @transform_3, window_bounds = array<i64: 41, 128>}, {transform_indices = @transform_4, window_bounds = array<i64: 6400, 128>}, {pipeline_mode = #tpu.pipeline_mode<synchronous>, transform_indices = @transform_5, window_bounds = array<i64: 2, 128>}]} {
    %get3A = arith.constant 0 : index
    %get3A_0 = arith.constant 0 : index
    %get3A_1 = arith.constant 0 : index
    %get3A_2 = vector.load %arg3[%get3A, %get3A_0, %get3A_1] : memref<400x16x41xbf16, #tpu.memory_space<vmem>>, vector<400x16x41xbf16>
    %reshape3A = vector.shape_cast %get3A_2 : vector<400x16x41xbf16> to vector<6400x41xbf16>
    %get3A_3 = arith.constant 0 : index
    %get3A_4 = arith.constant 0 : index
    %get3A_5 = vector.load %arg4[%get3A_3, %get3A_4] : memref<41x128xbf16, #tpu.memory_space<vmem>>, vector<41x128xbf16>
    %dot_general3A = arith.constant dense<0.000000e+00> : vector<6400x128xf32>
    %dot_general3A_6 = tpu.matmul %reshape3A, %get3A_5, %dot_general3A {dimension_numbers = #tpu.dot_dimension_numbers<[1], [0], [0], [1], [0, 0, 1, 1], [], []>, transpose_lhs_hint = false} : vector<6400x41xbf16>, vector<41x128xbf16>, vector<6400x128xf32> -> vector<6400x128xf32>
    %get3A_7 = arith.constant 0 : index
    %get3A_8 = arith.constant 0 : index
    %get3A_9 = vector.load %arg1[%get3A_7, %get3A_8] : memref<6400x128xf32, #tpu.memory_space<vmem>>, vector<6400x128xf32>
    %add3A = arith.addf %dot_general3A_6, %get3A_9 : vector<6400x128xf32>
    %reshape3A_10 = vector.shape_cast %add3A : vector<6400x128xf32> to vector<400x16x128xf32>
    %get3A_11 = arith.constant 0 : index
    %get3A_12 = arith.constant 0 : index
    %get3A_13 = vector.load %arg2[%get3A_11, %get3A_12] : memref<400x128xf32, #tpu.memory_space<vmem>>, vector<400x128xf32>
    %broadcast_in_dim3A = vector.shape_cast %get3A_13 : vector<400x128xf32> to vector<400x1x128xf32>
    %add3A_14 = vector.broadcast %broadcast_in_dim3A : vector<400x1x128xf32> to vector<400x16x128xf32>
    %add3A_15 = arith.addf %reshape3A_10, %add3A_14 : vector<400x16x128xf32>
    %reshape3A_16 = vector.shape_cast %add3A_15 : vector<400x16x128xf32> to vector<6400x128xf32>
    %convert_element_type3A = arith.truncf %reshape3A_16 : vector<6400x128xf32> to vector<6400x128xbf16>
    %swap3A = arith.constant 0 : index
    %swap3A_17 = arith.constant 0 : index
    %swap3A_18 = vector.load %arg5[%swap3A, %swap3A_17] : memref<6400x128xbf16, #tpu.memory_space<vmem>>, vector<6400x128xbf16>
    tpu.vector_store %arg5[%swap3A, %swap3A_17], %convert_element_type3A {strides = array<i32>} : memref<6400x128xbf16, #tpu.memory_space<vmem>>, vector<6400x128xbf16>,
    %reduce_sum3A = arith.constant dense<0.000000e+00> : vector<128xf32>
    %reduce_sum3A_19 = vector.multi_reduction <add>, %reshape3A_16, %reduce_sum3A [0] : vector<6400x128xf32> to vector<128xf32>
    %broadcast_in_dim3A_20 = vector.shape_cast %reduce_sum3A_19 : vector<128xf32> to vector<1x128xf32>
    %mul3A = arith.mulf %reshape3A_16, %reshape3A_16 : vector<6400x128xf32>
    %reduce_sum3A_21 = arith.constant dense<0.000000e+00> : vector<128xf32>
    %reduce_sum3A_22 = vector.multi_reduction <add>, %mul3A, %reduce_sum3A_21 [0] : vector<6400x128xf32> to vector<128xf32>
    %broadcast_in_dim3A_23 = vector.shape_cast %reduce_sum3A_22 : vector<128xf32> to vector<1x128xf32>
    %concatenate3A = tpu.concatenate %broadcast_in_dim3A_20, %broadcast_in_dim3A_23 in 0 : vector<1x128xf32>, vector<1x128xf32> -> vector<2x128xf32>
    %eq3A = arith.constant 0 : i32
    %eq3A_24 = arith.cmpi eq, %arg0, %eq3A : i32
    %convert_element_type3A_25 = arith.extui %eq3A_24 : i1 to i32
    %cond3A = arith.constant 0 : i32
    %cond3A_26 = arith.cmpi ne, %convert_element_type3A_25, %cond3A : i32
    scf.if %cond3A_26 {
      %swap3A_31 = arith.constant 0 : index
      %swap3A_32 = arith.constant 0 : index
      %swap3A_33 = vector.load %arg6[%swap3A_31, %swap3A_32] : memref<2x128xf32, #tpu.memory_space<vmem>>, vector<2x128xf32>
      tpu.vector_store %arg6[%swap3A_31, %swap3A_32], %concatenate3A {strides = array<i32>} : memref<2x128xf32, #tpu.memory_space<vmem>>, vector<2x128xf32>,
    } else {
    }
    %ne3A = arith.constant 0 : i32
    %ne3A_27 = arith.cmpi ne, %arg0, %ne3A : i32
    %convert_element_type3A_28 = arith.extui %ne3A_27 : i1 to i32
    %cond3A_29 = arith.constant 0 : i32
    %cond3A_30 = arith.cmpi ne, %convert_element_type3A_28, %cond3A_29 : i32
    scf.if %cond3A_30 {
      %get3A_31 = arith.constant 0 : index
      %get3A_32 = arith.constant 0 : index
      %get3A_33 = vector.load %arg6[%get3A_31, %get3A_32] : memref<2x128xf32, #tpu.memory_space<vmem>>, vector<2x128xf32>
      %add3A_34 = arith.addf %get3A_33, %concatenate3A : vector<2x128xf32>
      %swap3A_35 = arith.constant 0 : index
      %swap3A_36 = arith.constant 0 : index
      %swap3A_37 = vector.load %arg6[%swap3A_35, %swap3A_36] : memref<2x128xf32, #tpu.memory_space<vmem>>, vector<2x128xf32>
      tpu.vector_store %arg6[%swap3A_35, %swap3A_36], %add3A_34 {strides = array<i32>} : memref<2x128xf32, #tpu.memory_space<vmem>>, vector<2x128xf32>,
    } else {
    }
    return
  }
  func.func @transform_0(%arg0: i32) -> (i32, i32) {
    %c0_i32 = arith.constant 0 : i32
    %c0_i32_0 = arith.constant 0 : i32
    return %arg0, %c0_i32 : i32, i32
  }
  func.func @transform_1(%arg0: i32) -> (i32, i32) {
    %c0_i32 = arith.constant 0 : i32
    %c0_i32_0 = arith.constant 0 : i32
    return %arg0, %c0_i32 : i32, i32
  }
  func.func @transform_2(%arg0: i32) -> (i32, i32, i32) {
    %c0_i32 = arith.constant 0 : i32
    %c0_i32_0 = arith.constant 0 : i32
    %c0_i32_1 = arith.constant 0 : i32
    return %arg0, %c0_i32, %c0_i32_0 : i32, i32, i32
  }
  func.func @transform_3(%arg0: i32) -> (i32, i32) {
    %c0_i32 = arith.constant 0 : i32
    %c0_i32_0 = arith.constant 0 : i32
    %c0_i32_1 = arith.constant 0 : i32
    return %c0_i32, %c0_i32_0 : i32, i32
  }
  func.func @transform_4(%arg0: i32) -> (i32, i32) {
    %c0_i32 = arith.constant 0 : i32
    %c0_i32_0 = arith.constant 0 : i32
    return %arg0, %c0_i32 : i32, i32
  }
  func.func @transform_5(%arg0: i32) -> (i32, i32) {
    %c0_i32 = arith.constant 0 : i32
    %c0_i32_0 = arith.constant 0 : i32
    %c0_i32_1 = arith.constant 0 : i32
    return %c0_i32, %c0_i32_0 : i32, i32
  }
}

module attributes {stable_mosaic.version = 14 : i64} {
  func.func @body(%arg0: i32, %arg1: memref<16000x128xbf16, #tpu.memory_space<vmem>>, %arg2: memref<2x128xf32, #tpu.memory_space<vmem>>, %arg3: memref<1x128xf32, #tpu.memory_space<vmem>>, %arg4: memref<1x128xf32, #tpu.memory_space<vmem>>, %arg5: memref<1000x64xf32, #tpu.memory_space<vmem>>, %arg6: memref<2x64xf32, #tpu.memory_space<vmem>>) attributes {dimension_semantics = [#tpu.dimension_semantics<arbitrary>], iteration_bounds = array<i64: 50>, scalar_prefetch = 0 : i64, scratch_operands = 0 : i64, tpu.core_type = #tpu.core_type<tc>, window_params = [{transform_indices = @transform_0, window_bounds = array<i64: 16000, 128>}, {pipeline_mode = #tpu.pipeline_mode<synchronous>, transform_indices = @transform_1, window_bounds = array<i64: 2, 128>}, {pipeline_mode = #tpu.pipeline_mode<synchronous>, transform_indices = @transform_2, window_bounds = array<i64: 1, 128>}, {pipeline_mode = #tpu.pipeline_mode<synchronous>, transform_indices = @transform_3, window_bounds = array<i64: 1, 128>}, {transform_indices = @transform_4, window_bounds = array<i64: 1000, 64>}, {pipeline_mode = #tpu.pipeline_mode<synchronous>, transform_indices = @transform_5, window_bounds = array<i64: 2, 64>}]} {
    %get3A = arith.constant 0 : index
    %get3A_0 = arith.constant 0 : index
    %get3A_1 = vector.load %arg2[%get3A, %get3A_0] : memref<2x128xf32, #tpu.memory_space<vmem>>, vector<2x128xf32>
    %slice3A = vector.extract_strided_slice %get3A_1 {offsets = [0, 0], sizes = [1, 128], strides = [1, 1]} : vector<2x128xf32> to vector<1x128xf32>
    %mul3A = arith.constant 1.250000e-06 : f32
    %mul3A_2 = vector.broadcast %mul3A : f32 to vector<1x128xf32>
    %mul3A_3 = arith.mulf %slice3A, %mul3A_2 : vector<1x128xf32>
    %slice3A_4 = vector.extract_strided_slice %get3A_1 {offsets = [1, 0], sizes = [1, 128], strides = [1, 1]} : vector<2x128xf32> to vector<1x128xf32>
    %mul3A_5 = arith.constant 1.250000e-06 : f32
    %mul3A_6 = vector.broadcast %mul3A_5 : f32 to vector<1x128xf32>
    %mul3A_7 = arith.mulf %slice3A_4, %mul3A_6 : vector<1x128xf32>
    %mul3A_8 = arith.mulf %mul3A_3, %mul3A_3 : vector<1x128xf32>
    %sub3A = arith.subf %mul3A_7, %mul3A_8 : vector<1x128xf32>
    %get3A_9 = arith.constant 0 : index
    %get3A_10 = arith.constant 0 : index
    %get3A_11 = vector.load %arg3[%get3A_9, %get3A_10] : memref<1x128xf32, #tpu.memory_space<vmem>>, vector<1x128xf32>
    %add3A = arith.constant 9.99999974E-6 : f32
    %add3A_12 = vector.broadcast %add3A : f32 to vector<1x128xf32>
    %add3A_13 = arith.addf %sub3A, %add3A_12 : vector<1x128xf32>
    %rsqrt3A = math.rsqrt %add3A_13 : vector<1x128xf32>
    %mul3A_14 = arith.mulf %get3A_11, %rsqrt3A : vector<1x128xf32>
    %get3A_15 = arith.constant 0 : index
    %get3A_16 = arith.constant 0 : index
    %get3A_17 = vector.load %arg4[%get3A_15, %get3A_16] : memref<1x128xf32, #tpu.memory_space<vmem>>, vector<1x128xf32>
    %mul3A_18 = arith.mulf %mul3A_3, %mul3A_14 : vector<1x128xf32>
    %sub3A_19 = arith.subf %get3A_17, %mul3A_18 : vector<1x128xf32>
    %get3A_20 = arith.constant 0 : index
    %get3A_21 = arith.constant 0 : index
    %get3A_22 = vector.load %arg1[%get3A_20, %get3A_21] : memref<16000x128xbf16, #tpu.memory_space<vmem>>, vector<16000x128xbf16>
    %convert_element_type3A = arith.extf %get3A_22 : vector<16000x128xbf16> to vector<16000x128xf32>
    %mul3A_23 = vector.broadcast %mul3A_14 : vector<1x128xf32> to vector<16000x128xf32>
    %mul3A_24 = arith.mulf %convert_element_type3A, %mul3A_23 : vector<16000x128xf32>
    %add3A_25 = vector.broadcast %sub3A_19 : vector<1x128xf32> to vector<16000x128xf32>
    %add3A_26 = arith.addf %mul3A_24, %add3A_25 : vector<16000x128xf32>
    %slice3A_27 = vector.extract_strided_slice %add3A_26 {offsets = [0, 0], sizes = [16000, 64], strides = [1, 1]} : vector<16000x128xf32> to vector<16000x64xf32>
    %mul3A_28 = arith.constant 5.000000e-01 : f32
    %mul3A_29 = vector.broadcast %mul3A_28 : f32 to vector<16000x64xf32>
    %mul3A_30 = arith.mulf %mul3A_29, %slice3A_27 : vector<16000x64xf32>
    %tanh3A = math.tanh %mul3A_30 : vector<16000x64xf32>
    %mul3A_31 = arith.constant 5.000000e-01 : f32
    %mul3A_32 = vector.broadcast %mul3A_31 : f32 to vector<16000x64xf32>
    %mul3A_33 = arith.mulf %mul3A_32, %tanh3A : vector<16000x64xf32>
    %add3A_34 = arith.constant 5.000000e-01 : f32
    %add3A_35 = vector.broadcast %add3A_34 : f32 to vector<16000x64xf32>
    %add3A_36 = arith.addf %add3A_35, %mul3A_33 : vector<16000x64xf32>
    %slice3A_37 = vector.extract_strided_slice %add3A_26 {offsets = [0, 64], sizes = [16000, 64], strides = [1, 1]} : vector<16000x128xf32> to vector<16000x64xf32>
    %max3A = arith.constant 0.000000e+00 : f32
    %max3A_38 = vector.broadcast %max3A : f32 to vector<16000x64xf32>
    %max3A_39 = arith.maximumf %slice3A_37, %max3A_38 : vector<16000x64xf32>
    %abs3A = math.absf %slice3A_37 : vector<16000x64xf32>
    %neg3A = arith.constant 0.000000e+00 : f32
    %neg3A_40 = vector.broadcast %neg3A : f32 to vector<16000x64xf32>
    %neg3A_41 = arith.subf %neg3A_40, %abs3A : vector<16000x64xf32>
    %exp3A = math.exp %neg3A_41 : vector<16000x64xf32>
    %add3A_42 = arith.constant 1.000000e+00 : f32
    %add3A_43 = vector.broadcast %add3A_42 : f32 to vector<16000x64xf32>
    %add3A_44 = arith.addf %add3A_43, %exp3A : vector<16000x64xf32>
    %log3A = math.log %add3A_44 : vector<16000x64xf32>
    %add3A_45 = arith.addf %max3A_39, %log3A : vector<16000x64xf32>
    %mul3A_46 = arith.mulf %add3A_36, %add3A_45 : vector<16000x64xf32>
    %reshape3A = vector.shape_cast %mul3A_46 : vector<16000x64xf32> to vector<1000x16x64xf32>
    %reduce_sum3A = arith.constant dense<0.000000e+00> : vector<1000x64xf32>
    %reduce_sum3A_47 = vector.multi_reduction <add>, %reshape3A, %reduce_sum3A [1] : vector<1000x16x64xf32> to vector<1000x64xf32>
    %swap3A = arith.constant 0 : index
    %swap3A_48 = arith.constant 0 : index
    %swap3A_49 = vector.load %arg5[%swap3A, %swap3A_48] : memref<1000x64xf32, #tpu.memory_space<vmem>>, vector<1000x64xf32>
    tpu.vector_store %arg5[%swap3A, %swap3A_48], %reduce_sum3A_47 {strides = array<i32>} : memref<1000x64xf32, #tpu.memory_space<vmem>>, vector<1000x64xf32>,
    %reduce_sum3A_50 = arith.constant dense<0.000000e+00> : vector<64xf32>
    %reduce_sum3A_51 = vector.multi_reduction <add>, %reduce_sum3A_47, %reduce_sum3A_50 [0] : vector<1000x64xf32> to vector<64xf32>
    %broadcast_in_dim3A = vector.shape_cast %reduce_sum3A_51 : vector<64xf32> to vector<1x64xf32>
    %mul3A_52 = arith.mulf %reduce_sum3A_47, %reduce_sum3A_47 : vector<1000x64xf32>
    %reduce_sum3A_53 = arith.constant dense<0.000000e+00> : vector<64xf32>
    %reduce_sum3A_54 = vector.multi_reduction <add>, %mul3A_52, %reduce_sum3A_53 [0] : vector<1000x64xf32> to vector<64xf32>
    %broadcast_in_dim3A_55 = vector.shape_cast %reduce_sum3A_54 : vector<64xf32> to vector<1x64xf32>
    %concatenate3A = tpu.concatenate %broadcast_in_dim3A, %broadcast_in_dim3A_55 in 0 : vector<1x64xf32>, vector<1x64xf32> -> vector<2x64xf32>
    %eq3A = arith.constant 0 : i32
    %eq3A_56 = arith.cmpi eq, %arg0, %eq3A : i32
    %convert_element_type3A_57 = arith.extui %eq3A_56 : i1 to i32
    %cond3A = arith.constant 0 : i32
    %cond3A_58 = arith.cmpi ne, %convert_element_type3A_57, %cond3A : i32
    scf.if %cond3A_58 {
      %swap3A_63 = arith.constant 0 : index
      %swap3A_64 = arith.constant 0 : index
      %swap3A_65 = vector.load %arg6[%swap3A_63, %swap3A_64] : memref<2x64xf32, #tpu.memory_space<vmem>>, vector<2x64xf32>
      tpu.vector_store %arg6[%swap3A_63, %swap3A_64], %concatenate3A {strides = array<i32>} : memref<2x64xf32, #tpu.memory_space<vmem>>, vector<2x64xf32>,
    } else {
    }
    %ne3A = arith.constant 0 : i32
    %ne3A_59 = arith.cmpi ne, %arg0, %ne3A : i32
    %convert_element_type3A_60 = arith.extui %ne3A_59 : i1 to i32
    %cond3A_61 = arith.constant 0 : i32
    %cond3A_62 = arith.cmpi ne, %convert_element_type3A_60, %cond3A_61 : i32
    scf.if %cond3A_62 {
      %get3A_63 = arith.constant 0 : index
      %get3A_64 = arith.constant 0 : index
      %get3A_65 = vector.load %arg6[%get3A_63, %get3A_64] : memref<2x64xf32, #tpu.memory_space<vmem>>, vector<2x64xf32>
      %add3A_66 = arith.addf %get3A_65, %concatenate3A : vector<2x64xf32>
      %swap3A_67 = arith.constant 0 : index
      %swap3A_68 = arith.constant 0 : index
      %swap3A_69 = vector.load %arg6[%swap3A_67, %swap3A_68] : memref<2x64xf32, #tpu.memory_space<vmem>>, vector<2x64xf32>
      tpu.vector_store %arg6[%swap3A_67, %swap3A_68], %add3A_66 {strides = array<i32>} : memref<2x64xf32, #tpu.memory_space<vmem>>, vector<2x64xf32>,
    } else {
    }
    return
  }
  func.func @transform_0(%arg0: i32) -> (i32, i32) {
    %c0_i32 = arith.constant 0 : i32
    %c0_i32_0 = arith.constant 0 : i32
    return %arg0, %c0_i32 : i32, i32
  }
  func.func @transform_1(%arg0: i32) -> (i32, i32) {
    %c0_i32 = arith.constant 0 : i32
    %c0_i32_0 = arith.constant 0 : i32
    %c0_i32_1 = arith.constant 0 : i32
    return %c0_i32, %c0_i32_0 : i32, i32
  }
  func.func @transform_2(%arg0: i32) -> (i32, i32) {
    %c0_i32 = arith.constant 0 : i32
    %c0_i32_0 = arith.constant 0 : i32
    %c0_i32_1 = arith.constant 0 : i32
    return %c0_i32, %c0_i32_0 : i32, i32
  }
  func.func @transform_3(%arg0: i32) -> (i32, i32) {
    %c0_i32 = arith.constant 0 : i32
    %c0_i32_0 = arith.constant 0 : i32
    %c0_i32_1 = arith.constant 0 : i32
    return %c0_i32, %c0_i32_0 : i32, i32
  }
  func.func @transform_4(%arg0: i32) -> (i32, i32) {
    %c0_i32 = arith.constant 0 : i32
    %c0_i32_0 = arith.constant 0 : i32
    return %arg0, %c0_i32 : i32, i32
  }
  func.func @transform_5(%arg0: i32) -> (i32, i32) {
    %c0_i32 = arith.constant 0 : i32
    %c0_i32_0 = arith.constant 0 : i32
    %c0_i32_1 = arith.constant 0 : i32
    return %c0_i32, %c0_i32_0 : i32, i32
  }
}

module attributes {stable_mosaic.version = 14 : i64} {
  func.func @body(%arg0: i32, %arg1: memref<2000x64xf32, #tpu.memory_space<vmem>>, %arg2: memref<2000x64xf32, #tpu.memory_space<vmem>>, %arg3: memref<2x64xf32, #tpu.memory_space<vmem>>, %arg4: memref<1x64xf32, #tpu.memory_space<vmem>>, %arg5: memref<1x64xf32, #tpu.memory_space<vmem>>, %arg6: memref<64x128xf32, #tpu.memory_space<vmem>>, %arg7: memref<64x128xf32, #tpu.memory_space<vmem>>, %arg8: memref<1x128xf32, #tpu.memory_space<vmem>>, %arg9: memref<2000x64xf32, #tpu.memory_space<vmem>>, %arg10: memref<2000x128xf32, #tpu.memory_space<vmem>>, %arg11: memref<2000x128xf32, #tpu.memory_space<vmem>>) attributes {dimension_semantics = [#tpu.dimension_semantics<arbitrary>], iteration_bounds = array<i64: 25>, scalar_prefetch = 0 : i64, scratch_operands = 0 : i64, tpu.core_type = #tpu.core_type<tc>, window_params = [{transform_indices = @transform_0, window_bounds = array<i64: 2000, 64>}, {transform_indices = @transform_1, window_bounds = array<i64: 2000, 64>}, {pipeline_mode = #tpu.pipeline_mode<synchronous>, transform_indices = @transform_2, window_bounds = array<i64: 2, 64>}, {pipeline_mode = #tpu.pipeline_mode<synchronous>, transform_indices = @transform_3, window_bounds = array<i64: 1, 64>}, {pipeline_mode = #tpu.pipeline_mode<synchronous>, transform_indices = @transform_4, window_bounds = array<i64: 1, 64>}, {pipeline_mode = #tpu.pipeline_mode<synchronous>, transform_indices = @transform_5, window_bounds = array<i64: 64, 128>}, {pipeline_mode = #tpu.pipeline_mode<synchronous>, transform_indices = @transform_6, window_bounds = array<i64: 64, 128>}, {pipeline_mode = #tpu.pipeline_mode<synchronous>, transform_indices = @transform_7, window_bounds = array<i64: 1, 128>}, {transform_indices = @transform_8, window_bounds = array<i64: 2000, 64>}, {transform_indices = @transform_9, window_bounds = array<i64: 2000, 128>}, {transform_indices = @transform_10, window_bounds = array<i64: 2000, 128>}]} {
    %get3A = arith.constant 0 : index
    %get3A_0 = arith.constant 0 : index
    %get3A_1 = vector.load %arg3[%get3A, %get3A_0] : memref<2x64xf32, #tpu.memory_space<vmem>>, vector<2x64xf32>
    %slice3A = vector.extract_strided_slice %get3A_1 {offsets = [0, 0], sizes = [1, 64], strides = [1, 1]} : vector<2x64xf32> to vector<1x64xf32>
    %mul3A = arith.constant 2.000000e-05 : f32
    %mul3A_2 = vector.broadcast %mul3A : f32 to vector<1x64xf32>
    %mul3A_3 = arith.mulf %slice3A, %mul3A_2 : vector<1x64xf32>
    %slice3A_4 = vector.extract_strided_slice %get3A_1 {offsets = [1, 0], sizes = [1, 64], strides = [1, 1]} : vector<2x64xf32> to vector<1x64xf32>
    %mul3A_5 = arith.constant 2.000000e-05 : f32
    %mul3A_6 = vector.broadcast %mul3A_5 : f32 to vector<1x64xf32>
    %mul3A_7 = arith.mulf %slice3A_4, %mul3A_6 : vector<1x64xf32>
    %mul3A_8 = arith.mulf %mul3A_3, %mul3A_3 : vector<1x64xf32>
    %sub3A = arith.subf %mul3A_7, %mul3A_8 : vector<1x64xf32>
    %get3A_9 = arith.constant 0 : index
    %get3A_10 = arith.constant 0 : index
    %get3A_11 = vector.load %arg4[%get3A_9, %get3A_10] : memref<1x64xf32, #tpu.memory_space<vmem>>, vector<1x64xf32>
    %add3A = arith.constant 9.99999974E-6 : f32
    %add3A_12 = vector.broadcast %add3A : f32 to vector<1x64xf32>
    %add3A_13 = arith.addf %sub3A, %add3A_12 : vector<1x64xf32>
    %rsqrt3A = math.rsqrt %add3A_13 : vector<1x64xf32>
    %mul3A_14 = arith.mulf %get3A_11, %rsqrt3A : vector<1x64xf32>
    %get3A_15 = arith.constant 0 : index
    %get3A_16 = arith.constant 0 : index
    %get3A_17 = vector.load %arg5[%get3A_15, %get3A_16] : memref<1x64xf32, #tpu.memory_space<vmem>>, vector<1x64xf32>
    %mul3A_18 = arith.mulf %mul3A_3, %mul3A_14 : vector<1x64xf32>
    %sub3A_19 = arith.subf %get3A_17, %mul3A_18 : vector<1x64xf32>
    %get3A_20 = arith.constant 0 : index
    %get3A_21 = arith.constant 0 : index
    %get3A_22 = vector.load %arg1[%get3A_20, %get3A_21] : memref<2000x64xf32, #tpu.memory_space<vmem>>, vector<2000x64xf32>
    %get3A_23 = arith.constant 0 : index
    %get3A_24 = arith.constant 0 : index
    %get3A_25 = vector.load %arg2[%get3A_23, %get3A_24] : memref<2000x64xf32, #tpu.memory_space<vmem>>, vector<2000x64xf32>
    %mul3A_26 = vector.broadcast %mul3A_14 : vector<1x64xf32> to vector<2000x64xf32>
    %mul3A_27 = arith.mulf %get3A_25, %mul3A_26 : vector<2000x64xf32>
    %add3A_28 = arith.addf %get3A_22, %mul3A_27 : vector<2000x64xf32>
    %add3A_29 = vector.broadcast %sub3A_19 : vector<1x64xf32> to vector<2000x64xf32>
    %add3A_30 = arith.addf %add3A_28, %add3A_29 : vector<2000x64xf32>
    %max3A = arith.constant 0.000000e+00 : f32
    %max3A_31 = vector.broadcast %max3A : f32 to vector<2000x64xf32>
    %max3A_32 = arith.maximumf %add3A_30, %max3A_31 : vector<2000x64xf32>
    %abs3A = math.absf %add3A_30 : vector<2000x64xf32>
    %neg3A = arith.constant 0.000000e+00 : f32
    %neg3A_33 = vector.broadcast %neg3A : f32 to vector<2000x64xf32>
    %neg3A_34 = arith.subf %neg3A_33, %abs3A : vector<2000x64xf32>
    %exp3A = math.exp %neg3A_34 : vector<2000x64xf32>
    %add3A_35 = arith.constant 1.000000e+00 : f32
    %add3A_36 = vector.broadcast %add3A_35 : f32 to vector<2000x64xf32>
    %add3A_37 = arith.addf %add3A_36, %exp3A : vector<2000x64xf32>
    %log3A = math.log %add3A_37 : vector<2000x64xf32>
    %add3A_38 = arith.addf %max3A_32, %log3A : vector<2000x64xf32>
    %swap3A = arith.constant 0 : index
    %swap3A_39 = arith.constant 0 : index
    %swap3A_40 = vector.load %arg9[%swap3A, %swap3A_39] : memref<2000x64xf32, #tpu.memory_space<vmem>>, vector<2000x64xf32>
    tpu.vector_store %arg9[%swap3A, %swap3A_39], %add3A_38 {strides = array<i32>} : memref<2000x64xf32, #tpu.memory_space<vmem>>, vector<2000x64xf32>,
    %get3A_41 = arith.constant 0 : index
    %get3A_42 = arith.constant 0 : index
    %get3A_43 = vector.load %arg6[%get3A_41, %get3A_42] : memref<64x128xf32, #tpu.memory_space<vmem>>, vector<64x128xf32>
    %dot_general3A = arith.constant dense<0.000000e+00> : vector<2000x128xf32>
    %dot_general3A_44 = tpu.matmul %add3A_38, %get3A_43, %dot_general3A {dimension_numbers = #tpu.dot_dimension_numbers<[1], [0], [0], [1], [0, 0, 1, 1], [], []>, transpose_lhs_hint = false} : vector<2000x64xf32>, vector<64x128xf32>, vector<2000x128xf32> -> vector<2000x128xf32>
    %swap3A_45 = arith.constant 0 : index
    %swap3A_46 = arith.constant 0 : index
    %swap3A_47 = vector.load %arg10[%swap3A_45, %swap3A_46] : memref<2000x128xf32, #tpu.memory_space<vmem>>, vector<2000x128xf32>
    tpu.vector_store %arg10[%swap3A_45, %swap3A_46], %dot_general3A_44 {strides = array<i32>} : memref<2000x128xf32, #tpu.memory_space<vmem>>, vector<2000x128xf32>,
    %get3A_48 = arith.constant 0 : index
    %get3A_49 = arith.constant 0 : index
    %get3A_50 = vector.load %arg7[%get3A_48, %get3A_49] : memref<64x128xf32, #tpu.memory_space<vmem>>, vector<64x128xf32>
    %dot_general3A_51 = arith.constant dense<0.000000e+00> : vector<2000x128xf32>
    %dot_general3A_52 = tpu.matmul %add3A_38, %get3A_50, %dot_general3A_51 {dimension_numbers = #tpu.dot_dimension_numbers<[1], [0], [0], [1], [0, 0, 1, 1], [], []>, transpose_lhs_hint = false} : vector<2000x64xf32>, vector<64x128xf32>, vector<2000x128xf32> -> vector<2000x128xf32>
    %get3A_53 = arith.constant 0 : index
    %get3A_54 = arith.constant 0 : index
    %get3A_55 = vector.load %arg8[%get3A_53, %get3A_54] : memref<1x128xf32, #tpu.memory_space<vmem>>, vector<1x128xf32>
    %add3A_56 = vector.broadcast %get3A_55 : vector<1x128xf32> to vector<2000x128xf32>
    %add3A_57 = arith.addf %dot_general3A_52, %add3A_56 : vector<2000x128xf32>
    %swap3A_58 = arith.constant 0 : index
    %swap3A_59 = arith.constant 0 : index
    %swap3A_60 = vector.load %arg11[%swap3A_58, %swap3A_59] : memref<2000x128xf32, #tpu.memory_space<vmem>>, vector<2000x128xf32>
    tpu.vector_store %arg11[%swap3A_58, %swap3A_59], %add3A_57 {strides = array<i32>} : memref<2000x128xf32, #tpu.memory_space<vmem>>, vector<2000x128xf32>,
    return
  }
  func.func @transform_0(%arg0: i32) -> (i32, i32) {
    %c0_i32 = arith.constant 0 : i32
    %c0_i32_0 = arith.constant 0 : i32
    return %arg0, %c0_i32 : i32, i32
  }
  func.func @transform_1(%arg0: i32) -> (i32, i32) {
    %c0_i32 = arith.constant 0 : i32
    %c0_i32_0 = arith.constant 0 : i32
    return %arg0, %c0_i32 : i32, i32
  }
  func.func @transform_2(%arg0: i32) -> (i32, i32) {
    %c0_i32 = arith.constant 0 : i32
    %c0_i32_0 = arith.constant 0 : i32
    %c0_i32_1 = arith.constant 0 : i32
    return %c0_i32, %c0_i32_0 : i32, i32
  }
  func.func @transform_3(%arg0: i32) -> (i32, i32) {
    %c0_i32 = arith.constant 0 : i32
    %c0_i32_0 = arith.constant 0 : i32
    %c0_i32_1 = arith.constant 0 : i32
    return %c0_i32, %c0_i32_0 : i32, i32
  }
  func.func @transform_4(%arg0: i32) -> (i32, i32) {
    %c0_i32 = arith.constant 0 : i32
    %c0_i32_0 = arith.constant 0 : i32
    %c0_i32_1 = arith.constant 0 : i32
    return %c0_i32, %c0_i32_0 : i32, i32
  }
  func.func @transform_5(%arg0: i32) -> (i32, i32) {
    %c0_i32 = arith.constant 0 : i32
    %c0_i32_0 = arith.constant 0 : i32
    %c0_i32_1 = arith.constant 0 : i32
    return %c0_i32, %c0_i32_0 : i32, i32
  }
  func.func @transform_6(%arg0: i32) -> (i32, i32) {
    %c0_i32 = arith.constant 0 : i32
    %c0_i32_0 = arith.constant 0 : i32
    %c0_i32_1 = arith.constant 0 : i32
    return %c0_i32, %c0_i32_0 : i32, i32
  }
  func.func @transform_7(%arg0: i32) -> (i32, i32) {
    %c0_i32 = arith.constant 0 : i32
    %c0_i32_0 = arith.constant 0 : i32
    %c0_i32_1 = arith.constant 0 : i32
    return %c0_i32, %c0_i32_0 : i32, i32
  }
  func.func @transform_8(%arg0: i32) -> (i32, i32) {
    %c0_i32 = arith.constant 0 : i32
    %c0_i32_0 = arith.constant 0 : i32
    return %arg0, %c0_i32 : i32, i32
  }
  func.func @transform_9(%arg0: i32) -> (i32, i32) {
    %c0_i32 = arith.constant 0 : i32
    %c0_i32_0 = arith.constant 0 : i32
    return %arg0, %c0_i32 : i32, i32
  }
  func.func @transform_10(%arg0: i32) -> (i32, i32) {
    %c0_i32 = arith.constant 0 : i32
    %c0_i32_0 = arith.constant 0 : i32
    return %arg0, %c0_i32 : i32, i32
  }
}

module attributes {stable_mosaic.version = 14 : i64} {
  func.func @body(%arg0: i32, %arg1: memref<2000x64xf32, #tpu.memory_space<vmem>>, %arg2: memref<2000x64xf32, #tpu.memory_space<vmem>>, %arg3: memref<2x64xf32, #tpu.memory_space<vmem>>, %arg4: memref<1x64xf32, #tpu.memory_space<vmem>>, %arg5: memref<1x64xf32, #tpu.memory_space<vmem>>, %arg6: memref<2000x1xi32, #tpu.memory_space<vmem>>, %arg7: memref<512x64xf32, #tpu.memory_space<vmem>>, %arg8: memref<512x1xf32, #tpu.memory_space<vmem>>) attributes {dimension_semantics = [#tpu.dimension_semantics<arbitrary>], iteration_bounds = array<i64: 25>, scalar_prefetch = 0 : i64, scratch_operands = 0 : i64, tpu.core_type = #tpu.core_type<tc>, window_params = [{transform_indices = @transform_0, window_bounds = array<i64: 2000, 64>}, {transform_indices = @transform_1, window_bounds = array<i64: 2000, 64>}, {pipeline_mode = #tpu.pipeline_mode<synchronous>, transform_indices = @transform_2, window_bounds = array<i64: 2, 64>}, {pipeline_mode = #tpu.pipeline_mode<synchronous>, transform_indices = @transform_3, window_bounds = array<i64: 1, 64>}, {pipeline_mode = #tpu.pipeline_mode<synchronous>, transform_indices = @transform_4, window_bounds = array<i64: 1, 64>}, {transform_indices = @transform_5, window_bounds = array<i64: 2000, 1>}, {pipeline_mode = #tpu.pipeline_mode<synchronous>, transform_indices = @transform_6, window_bounds = array<i64: 512, 64>}, {pipeline_mode = #tpu.pipeline_mode<synchronous>, transform_indices = @transform_7, window_bounds = array<i64: 512, 1>}]} {
    %get3A = arith.constant 0 : index
    %get3A_0 = arith.constant 0 : index
    %get3A_1 = vector.load %arg3[%get3A, %get3A_0] : memref<2x64xf32, #tpu.memory_space<vmem>>, vector<2x64xf32>
    %slice3A = vector.extract_strided_slice %get3A_1 {offsets = [0, 0], sizes = [1, 64], strides = [1, 1]} : vector<2x64xf32> to vector<1x64xf32>
    %mul3A = arith.constant 2.000000e-05 : f32
    %mul3A_2 = vector.broadcast %mul3A : f32 to vector<1x64xf32>
    %mul3A_3 = arith.mulf %slice3A, %mul3A_2 : vector<1x64xf32>
    %slice3A_4 = vector.extract_strided_slice %get3A_1 {offsets = [1, 0], sizes = [1, 64], strides = [1, 1]} : vector<2x64xf32> to vector<1x64xf32>
    %mul3A_5 = arith.constant 2.000000e-05 : f32
    %mul3A_6 = vector.broadcast %mul3A_5 : f32 to vector<1x64xf32>
    %mul3A_7 = arith.mulf %slice3A_4, %mul3A_6 : vector<1x64xf32>
    %mul3A_8 = arith.mulf %mul3A_3, %mul3A_3 : vector<1x64xf32>
    %sub3A = arith.subf %mul3A_7, %mul3A_8 : vector<1x64xf32>
    %get3A_9 = arith.constant 0 : index
    %get3A_10 = arith.constant 0 : index
    %get3A_11 = vector.load %arg4[%get3A_9, %get3A_10] : memref<1x64xf32, #tpu.memory_space<vmem>>, vector<1x64xf32>
    %add3A = arith.constant 9.99999974E-6 : f32
    %add3A_12 = vector.broadcast %add3A : f32 to vector<1x64xf32>
    %add3A_13 = arith.addf %sub3A, %add3A_12 : vector<1x64xf32>
    %rsqrt3A = math.rsqrt %add3A_13 : vector<1x64xf32>
    %mul3A_14 = arith.mulf %get3A_11, %rsqrt3A : vector<1x64xf32>
    %get3A_15 = arith.constant 0 : index
    %get3A_16 = arith.constant 0 : index
    %get3A_17 = vector.load %arg5[%get3A_15, %get3A_16] : memref<1x64xf32, #tpu.memory_space<vmem>>, vector<1x64xf32>
    %mul3A_18 = arith.mulf %mul3A_3, %mul3A_14 : vector<1x64xf32>
    %sub3A_19 = arith.subf %get3A_17, %mul3A_18 : vector<1x64xf32>
    %get3A_20 = arith.constant 0 : index
    %get3A_21 = arith.constant 0 : index
    %get3A_22 = vector.load %arg1[%get3A_20, %get3A_21] : memref<2000x64xf32, #tpu.memory_space<vmem>>, vector<2000x64xf32>
    %get3A_23 = arith.constant 0 : index
    %get3A_24 = arith.constant 0 : index
    %get3A_25 = vector.load %arg2[%get3A_23, %get3A_24] : memref<2000x64xf32, #tpu.memory_space<vmem>>, vector<2000x64xf32>
    %mul3A_26 = vector.broadcast %mul3A_14 : vector<1x64xf32> to vector<2000x64xf32>
    %mul3A_27 = arith.mulf %get3A_25, %mul3A_26 : vector<2000x64xf32>
    %add3A_28 = arith.addf %get3A_22, %mul3A_27 : vector<2000x64xf32>
    %add3A_29 = vector.broadcast %sub3A_19 : vector<1x64xf32> to vector<2000x64xf32>
    %add3A_30 = arith.addf %add3A_28, %add3A_29 : vector<2000x64xf32>
    %max3A = arith.constant 0.000000e+00 : f32
    %max3A_31 = vector.broadcast %max3A : f32 to vector<2000x64xf32>
    %max3A_32 = arith.maximumf %add3A_30, %max3A_31 : vector<2000x64xf32>
    %abs3A = math.absf %add3A_30 : vector<2000x64xf32>
    %neg3A = arith.constant 0.000000e+00 : f32
    %neg3A_33 = vector.broadcast %neg3A : f32 to vector<2000x64xf32>
    %neg3A_34 = arith.subf %neg3A_33, %abs3A : vector<2000x64xf32>
    %exp3A = math.exp %neg3A_34 : vector<2000x64xf32>
    %add3A_35 = arith.constant 1.000000e+00 : f32
    %add3A_36 = vector.broadcast %add3A_35 : f32 to vector<2000x64xf32>
    %add3A_37 = arith.addf %add3A_36, %exp3A : vector<2000x64xf32>
    %log3A = math.log %add3A_37 : vector<2000x64xf32>
    %add3A_38 = arith.addf %max3A_32, %log3A : vector<2000x64xf32>
    %get3A_39 = arith.constant 0 : index
    %get3A_40 = arith.constant 0 : index
    %get3A_41 = vector.load %arg6[%get3A_39, %get3A_40] : memref<2000x1xi32, #tpu.memory_space<vmem>>, vector<2000x1xi32>
    %iota3A = tpu.iota {dimensions = array<i32: 1>} : vector<1x512xi32>
    %eq3A = vector.broadcast %get3A_41 : vector<2000x1xi32> to vector<2000x512xi32>
    %eq3A_42 = vector.broadcast %iota3A : vector<1x512xi32> to vector<2000x512xi32>
    %eq3A_43 = arith.cmpi eq, %eq3A, %eq3A_42 : vector<2000x512xi32>
    %convert_element_type3A = arith.extui %eq3A_43 : vector<2000x512xi1> to vector<2000x512xi32>
    %convert_element_type3A_44 = arith.sitofp %convert_element_type3A : vector<2000x512xi32> to vector<2000x512xf32>
    %dot_general3A = arith.constant dense<0.000000e+00> : vector<512x64xf32>
    %dot_general3A_45 = tpu.matmul %convert_element_type3A_44, %add3A_38, %dot_general3A {dimension_numbers = #tpu.dot_dimension_numbers<[0], [0], [1], [1], [0, 1, 1, 1], [], []>, transpose_lhs_hint = false} : vector<2000x512xf32>, vector<2000x64xf32>, vector<512x64xf32> -> vector<512x64xf32>
    %broadcast_in_dim3A = arith.constant 1.000000e+00 : f32
    %broadcast_in_dim3A_46 = vector.broadcast %broadcast_in_dim3A : f32 to vector<2000x1xf32>
    %dot_general3A_47 = arith.constant dense<0.000000e+00> : vector<512x1xf32>
    %dot_general3A_48 = tpu.matmul %convert_element_type3A_44, %broadcast_in_dim3A_46, %dot_general3A_47 {dimension_numbers = #tpu.dot_dimension_numbers<[0], [0], [1], [1], [0, 1, 1, 1], [], []>, transpose_lhs_hint = false} : vector<2000x512xf32>, vector<2000x1xf32>, vector<512x1xf32> -> vector<512x1xf32>
    %eq3A_49 = arith.constant 0 : i32
    %eq3A_50 = arith.cmpi eq, %arg0, %eq3A_49 : i32
    %convert_element_type3A_51 = arith.extui %eq3A_50 : i1 to i32
    %cond3A = arith.constant 0 : i32
    %cond3A_52 = arith.cmpi ne, %convert_element_type3A_51, %cond3A : i32
    scf.if %cond3A_52 {
      %swap3A = arith.constant 0 : index
      %swap3A_57 = arith.constant 0 : index
      %swap3A_58 = vector.load %arg7[%swap3A, %swap3A_57] : memref<512x64xf32, #tpu.memory_space<vmem>>, vector<512x64xf32>
      tpu.vector_store %arg7[%swap3A, %swap3A_57], %dot_general3A_45 {strides = array<i32>} : memref<512x64xf32, #tpu.memory_space<vmem>>, vector<512x64xf32>,
      %swap3A_59 = arith.constant 0 : index
      %swap3A_60 = arith.constant 0 : index
      %swap3A_61 = vector.load %arg8[%swap3A_59, %swap3A_60] : memref<512x1xf32, #tpu.memory_space<vmem>>, vector<512x1xf32>
      tpu.vector_store %arg8[%swap3A_59, %swap3A_60], %dot_general3A_48 {strides = array<i32>} : memref<512x1xf32, #tpu.memory_space<vmem>>, vector<512x1xf32>,
    } else {
    }
    %ne3A = arith.constant 0 : i32
    %ne3A_53 = arith.cmpi ne, %arg0, %ne3A : i32
    %convert_element_type3A_54 = arith.extui %ne3A_53 : i1 to i32
    %cond3A_55 = arith.constant 0 : i32
    %cond3A_56 = arith.cmpi ne, %convert_element_type3A_54, %cond3A_55 : i32
    scf.if %cond3A_56 {
      %get3A_57 = arith.constant 0 : index
      %get3A_58 = arith.constant 0 : index
      %get3A_59 = vector.load %arg7[%get3A_57, %get3A_58] : memref<512x64xf32, #tpu.memory_space<vmem>>, vector<512x64xf32>
      %add3A_60 = arith.addf %get3A_59, %dot_general3A_45 : vector<512x64xf32>
      %swap3A = arith.constant 0 : index
      %swap3A_61 = arith.constant 0 : index
      %swap3A_62 = vector.load %arg7[%swap3A, %swap3A_61] : memref<512x64xf32, #tpu.memory_space<vmem>>, vector<512x64xf32>
      tpu.vector_store %arg7[%swap3A, %swap3A_61], %add3A_60 {strides = array<i32>} : memref<512x64xf32, #tpu.memory_space<vmem>>, vector<512x64xf32>,
      %get3A_63 = arith.constant 0 : index
      %get3A_64 = arith.constant 0 : index
      %get3A_65 = vector.load %arg8[%get3A_63, %get3A_64] : memref<512x1xf32, #tpu.memory_space<vmem>>, vector<512x1xf32>
      %add3A_66 = arith.addf %get3A_65, %dot_general3A_48 : vector<512x1xf32>
      %swap3A_67 = arith.constant 0 : index
      %swap3A_68 = arith.constant 0 : index
      %swap3A_69 = vector.load %arg8[%swap3A_67, %swap3A_68] : memref<512x1xf32, #tpu.memory_space<vmem>>, vector<512x1xf32>
      tpu.vector_store %arg8[%swap3A_67, %swap3A_68], %add3A_66 {strides = array<i32>} : memref<512x1xf32, #tpu.memory_space<vmem>>, vector<512x1xf32>,
    } else {
    }
    return
  }
  func.func @transform_0(%arg0: i32) -> (i32, i32) {
    %c0_i32 = arith.constant 0 : i32
    %c0_i32_0 = arith.constant 0 : i32
    return %arg0, %c0_i32 : i32, i32
  }
  func.func @transform_1(%arg0: i32) -> (i32, i32) {
    %c0_i32 = arith.constant 0 : i32
    %c0_i32_0 = arith.constant 0 : i32
    return %arg0, %c0_i32 : i32, i32
  }
  func.func @transform_2(%arg0: i32) -> (i32, i32) {
    %c0_i32 = arith.constant 0 : i32
    %c0_i32_0 = arith.constant 0 : i32
    %c0_i32_1 = arith.constant 0 : i32
    return %c0_i32, %c0_i32_0 : i32, i32
  }
  func.func @transform_3(%arg0: i32) -> (i32, i32) {
    %c0_i32 = arith.constant 0 : i32
    %c0_i32_0 = arith.constant 0 : i32
    %c0_i32_1 = arith.constant 0 : i32
    return %c0_i32, %c0_i32_0 : i32, i32
  }
  func.func @transform_4(%arg0: i32) -> (i32, i32) {
    %c0_i32 = arith.constant 0 : i32
    %c0_i32_0 = arith.constant 0 : i32
    %c0_i32_1 = arith.constant 0 : i32
    return %c0_i32, %c0_i32_0 : i32, i32
  }
  func.func @transform_5(%arg0: i32) -> (i32, i32) {
    %c0_i32 = arith.constant 0 : i32
    %c0_i32_0 = arith.constant 0 : i32
    return %arg0, %c0_i32 : i32, i32
  }
  func.func @transform_6(%arg0: i32) -> (i32, i32) {
    %c0_i32 = arith.constant 0 : i32
    %c0_i32_0 = arith.constant 0 : i32
    %c0_i32_1 = arith.constant 0 : i32
    return %c0_i32, %c0_i32_0 : i32, i32
  }
  func.func @transform_7(%arg0: i32) -> (i32, i32) {
    %c0_i32 = arith.constant 0 : i32
    %c0_i32_0 = arith.constant 0 : i32
    %c0_i32_1 = arith.constant 0 : i32
    return %c0_i32, %c0_i32_0 : i32, i32
  }
}

module attributes {stable_mosaic.version = 14 : i64} {
  func.func @body(%arg0: memref<512x64xf32, #tpu.memory_space<vmem>>, %arg1: memref<512x1xf32, #tpu.memory_space<vmem>>, %arg2: memref<64x64xf32, #tpu.memory_space<vmem>>, %arg3: memref<1x64xf32, #tpu.memory_space<vmem>>, %arg4: memref<64x64xf32, #tpu.memory_space<vmem>>, %arg5: memref<1x64xf32, #tpu.memory_space<vmem>>, %arg6: memref<512x64xf32, #tpu.memory_space<vmem>>) attributes {dimension_semantics = [], scalar_prefetch = 0 : i64, scratch_operands = 0 : i64, tpu.core_type = #tpu.core_type<tc>} {
    %get3A = arith.constant 0 : index
    %get3A_0 = arith.constant 0 : index
    %get3A_1 = vector.load %arg0[%get3A, %get3A_0] : memref<512x64xf32, #tpu.memory_space<vmem>>, vector<512x64xf32>
    %get3A_2 = arith.constant 0 : index
    %get3A_3 = arith.constant 0 : index
    %get3A_4 = vector.load %arg1[%get3A_2, %get3A_3] : memref<512x1xf32, #tpu.memory_space<vmem>>, vector<512x1xf32>
    %max3A = arith.constant 1.000000e+00 : f32
    %max3A_5 = vector.broadcast %max3A : f32 to vector<512x1xf32>
    %max3A_6 = arith.maximumf %get3A_4, %max3A_5 : vector<512x1xf32>
    %div3A = vector.broadcast %max3A_6 : vector<512x1xf32> to vector<512x64xf32>
    %div3A_7 = arith.divf %get3A_1, %div3A : vector<512x64xf32>
    %get3A_8 = arith.constant 0 : index
    %get3A_9 = arith.constant 0 : index
    %get3A_10 = vector.load %arg2[%get3A_8, %get3A_9] : memref<64x64xf32, #tpu.memory_space<vmem>>, vector<64x64xf32>
    %dot_general3A = arith.constant dense<0.000000e+00> : vector<512x64xf32>
    %dot_general3A_11 = tpu.matmul %div3A_7, %get3A_10, %dot_general3A {dimension_numbers = #tpu.dot_dimension_numbers<[1], [0], [0], [1], [0, 0, 1, 1], [], []>, transpose_lhs_hint = false} : vector<512x64xf32>, vector<64x64xf32>, vector<512x64xf32> -> vector<512x64xf32>
    %get3A_12 = arith.constant 0 : index
    %get3A_13 = arith.constant 0 : index
    %get3A_14 = vector.load %arg3[%get3A_12, %get3A_13] : memref<1x64xf32, #tpu.memory_space<vmem>>, vector<1x64xf32>
    %add3A = vector.broadcast %get3A_14 : vector<1x64xf32> to vector<512x64xf32>
    %add3A_15 = arith.addf %dot_general3A_11, %add3A : vector<512x64xf32>
    %max3A_16 = arith.constant 0.000000e+00 : f32
    %max3A_17 = vector.broadcast %max3A_16 : f32 to vector<512x64xf32>
    %max3A_18 = arith.maximumf %add3A_15, %max3A_17 : vector<512x64xf32>
    %get3A_19 = arith.constant 0 : index
    %get3A_20 = arith.constant 0 : index
    %get3A_21 = vector.load %arg4[%get3A_19, %get3A_20] : memref<64x64xf32, #tpu.memory_space<vmem>>, vector<64x64xf32>
    %dot_general3A_22 = arith.constant dense<0.000000e+00> : vector<512x64xf32>
    %dot_general3A_23 = tpu.matmul %max3A_18, %get3A_21, %dot_general3A_22 {dimension_numbers = #tpu.dot_dimension_numbers<[1], [0], [0], [1], [0, 0, 1, 1], [], []>, transpose_lhs_hint = false} : vector<512x64xf32>, vector<64x64xf32>, vector<512x64xf32> -> vector<512x64xf32>
    %get3A_24 = arith.constant 0 : index
    %get3A_25 = arith.constant 0 : index
    %get3A_26 = vector.load %arg5[%get3A_24, %get3A_25] : memref<1x64xf32, #tpu.memory_space<vmem>>, vector<1x64xf32>
    %add3A_27 = vector.broadcast %get3A_26 : vector<1x64xf32> to vector<512x64xf32>
    %add3A_28 = arith.addf %dot_general3A_23, %add3A_27 : vector<512x64xf32>
    %swap3A = arith.constant 0 : index
    %swap3A_29 = arith.constant 0 : index
    %swap3A_30 = vector.load %arg6[%swap3A, %swap3A_29] : memref<512x64xf32, #tpu.memory_space<vmem>>, vector<512x64xf32>
    tpu.vector_store %arg6[%swap3A, %swap3A_29], %add3A_28 {strides = array<i32>} : memref<512x64xf32, #tpu.memory_space<vmem>>, vector<512x64xf32>,
    return
  }
}

</mosaic_0001>

<sc_bundles>
// kernel: kernel.16.cloned.1.call-start
scs
__scs_entry_jumppad:
0x0: {  	(pc) =	sbr.rel $0x88, $3  }
0x1: {  	(tag) =	ssettag $0x0;
	lr =	simm.s32 $0x1  }
0x2: {  	[smem:$0x3F91] =	sst lr;
	_ =	strace $0xD0000000  }
0x3: {  	_ = 	snop  }
0x4: {  	_ = 	snop  }
0x5: {  	_ = 	snop  }
0x6: {  	_ = 	snop  }
0x7: {  	_ = 	snop  }
__scs_overlays_trampoline_lowered:
0x8: {  	[smem:$0x3FA0] =	sst s0  }
0x9: {  	[smem:$0x3FA1] =	sst s1  }
0xa: {  	[smem:$0x3FA2] =	sst s2  }
0xb: {  	[smem:$0x3FA3] =	sst s3  }
0xc: {  	[smem:$0x3FA4] =	sst s4  }
0xd: {  	[smem:$0x3FA5] =	sst s5  }
0xe: {  	[smem:$0x3FA6] =	sst s6  }
0xf: {  	[smem:$0x3FA7] =	sst s7  }
0x10: {  	[smem:$0x3FA8] =	sst s8  }
0x11: {  	[smem:$0x3FA9] =	sst s9;
	s0 =	simm.s32 @!p0 $0x0  }
0x12: {  	s1 =	sld [smem:$0x3F8F];
	s0 =	simm.s32 @p0 $0x1  }
0x13: {  	[smem:$0x3FAA] =	sst s0;
	s0 =	simm.s32 @!p1 $0x0  }
0x14: {  	s2 =	sld [smem:$0x3F8E];
	s0 =	simm.s32 @p1 $0x1  }
0x15: {  	[smem:$0x3FAB] =	sst s0;
	s0 =	simm.s32 @!p2 $0x0  }
0x16: {  	s3 =	sld [smem:$0x3FDB];
	s0 =	simm.s32 @p2 $0x1  }
0x17: {  	s4 =	simm.s32 $0x1BF5;
	[smem:$0x3FAD] =	sst s0  }
0x18: {  	s0 =	sld [smem:$0x3F90];
	_ =	swait.ge [sflag:s4], $0x0  }
0x19: {  	s7 =	sld [smem:$0x3F91]  }
0x1a: {  	s8 =	sadd.s32 $0xFFFFE003, lr  }
0x1b: {  	s9 =	sadd.s32 $0xFFFFFEF7, lr;
	s5 =	simm.s32 $0xFFFFFFFF;
	p2 =	slt.u32 s8, $0xFFFFF086  }
0x1c: {  	p1 =	slt.u32 s9, $0xF7A;
	s5 =	simm.s32 @!p2 $0x0  }
0x1d: {  	s5 =	simm.s32 @p1 $0x1;
	p0 =	seq.s32 s7, s2  }
0x1e: {  	s7 =	smul.u32 @!p0 $0xF7A, s2;
	p2 =	seq.s32 @!p0 s5, $0x0  }
0x1f: {  	s9 =	smul.u32 $0xF7A, s1;
	s8 =	simm.s32 @!p0 $0x1BF5;
	p2 =	por !p2, p0  }
0x20: {  	[sflag:s8] =	ssyncset.s32 @!p0 $0xFFFFF086;
	s6 =	sadd.s32 @!p0 s3, s7;
	s7 =	simm.s32 @!p0 $0x108  }
0x21: {  	s3 =	sadd.s32 s3, s9;
	s6 =	sadd.s32 @!p0 $0x88, s6;
	s7 =	simm.s32 @p2 $0x1082  }
0x22: {  	[simem:s7], [sflag:s8] =	dma.local @!p0 [hbm:s6], $0xF7A  }
0x23: {  	s9 =	sor.u32 $0xD0000000, s2;
	s6 =	simm.s32 $0x108;
	_ =	swait.ge @!p0 [sflag:s8], $0x0  }
0x24: {  	s3 =	sadd.s32 $0x88, s3;
	s6 =	simm.s32 @!p1 $0x1082;
	[sflag:s4] =	ssyncset.s32 $0xFFFFF086  }
0x25: {  	[simem:s6], [sflag:s4] =	dma.local [hbm:s3], $0xF7A  }
0x26: {  	[smem:$0x3F91] =	sst s1;
	(tag) =	ssettag s2;
	_ =	strace s9  }
0x27: {  	s1 =	sld [smem:$0x3FA1]  }
0x28: {  	s2 =	sld [smem:$0x3FA2]  }
0x29: {  	s4 =	sld [smem:$0x3FA4]  }
0x2a: {  	p0 =	seq.s32 s5, $0x0;
	s5 =	sld [smem:$0x3FA5]  }
0x2b: {  	s6 =	sld [smem:$0x3FA6]  }
0x2c: {  	s7 =	sld [smem:$0x3FA7]  }
0x2d: {  	s3 =	simm.s32 $0x108;
	s8 =	sld [smem:$0x3FA8]  }
0x2e: {  	s3 =	simm.s32 @!p0 $0x1082;
	s9 =	sld [smem:$0x3FA9]  }
0x2f: {  	lr =	sadd.s32 s0, s3;
	s0 =	sld [smem:$0x3FA0]  }
0x30: {  	s3 =	sld [smem:$0x3FA3]  }
0x31: {  	[smem:$0x3FAC] =	sst s10  }
0x32: {  	s10 =	sld [smem:$0x3FAA];
	_ =	sdelay $0x3  }
0x33: {  	p0 =	seq.s32 s10, $0x1;
	s10 =	sld [smem:$0x3FAC];
	_ =	sdelay $0x3  }
0x34: {  	[smem:$0x3FAC] =	sst s10  }
0x35: {  	s10 =	sld [smem:$0x3FAB];
	_ =	sdelay $0x3  }
0x36: {  	p1 =	seq.s32 s10, $0x1;
	s10 =	sld [smem:$0x3FAC];
	_ =	sdelay $0x3  }
0x37: {  	[smem:$0x3FAC] =	sst s10  }
0x38: {  	s10 =	sld [smem:$0x3FAD]  }
0x39: {  	_ = 	snop;
	(pc) =	sbr.ind lr, $3  }
0x3a: {  	_ = 	snop  }
0x3b: {  	_ = 	snop  }
0x3c: {  	p2 =	seq.s32 s10, $0x1;
	s10 =	sld [smem:$0x3FAC]  }
0x3d: {  	_ =	shalt  }
0x3e: {  	_ =	shalt  }
0x3f: {  	_ =	shalt  }
0x40: {  	_ =	shalt  }
0x41: {  	_ =	shalt  }
0x42: {  	_ =	shalt  }
0x43: {  	_ =	shalt  }
0x44: {  	_ =	shalt  }
0x45: {  	_ =	shalt  }
0x46: {  	_ =	shalt  }
0x47: {  	_ =	shalt  }
0x48: {  	_ =	shalt  }
0x49: {  	_ =	shalt  }
0x4a: {  	_ =	shalt  }
0x4b: {  	_ =	shalt  }
0x4c: {  	_ =	shalt  }
0x4d: {  	_ =	shalt  }
0x4e: {  	_ =	shalt  }
0x4f: {  	_ =	shalt  }
0x50: {  	_ =	shalt  }
0x51: {  	_ =	shalt  }
0x52: {  	_ =	shalt  }
0x53: {  	_ =	shalt  }
0x54: {  	_ =	shalt  }
0x55: {  	_ =	shalt  }
0x56: {  	_ =	shalt  }
0x57: {  	_ =	shalt  }
0x58: {  	_ =	shalt  }
0x59: {  	_ =	shalt  }
0x5a: {  	_ =	shalt  }
0x5b: {  	_ =	shalt  }
0x5c: {  	_ =	shalt  }
0x5d: {  	_ =	shalt  }
0x5e: {  	_ =	shalt  }
0x5f: {  	_ =	shalt  }
0x60: {  	_ =	shalt  }
0x61: {  	_ =	shalt  }
0x62: {  	_ =	shalt  }
0x63: {  	_ =	shalt  }
0x64: {  	_ =	shalt  }
0x65: {  	_ =	shalt  }
0x66: {  	_ =	shalt  }
0x67: {  	_ =	shalt  }
0x68: {  	_ =	shalt  }
0x69: {  	_ =	shalt  }
0x6a: {  	_ =	shalt  }
0x6b: {  	_ =	shalt  }
0x6c: {  	_ =	shalt  }
0x6d: {  	_ =	shalt  }
0x6e: {  	_ =	shalt  }
0x6f: {  	_ =	shalt  }
0x70: {  	_ =	shalt  }
0x71: {  	_ =	shalt  }
0x72: {  	_ =	shalt  }
0x73: {  	_ =	shalt  }
0x74: {  	_ =	shalt  }
0x75: {  	_ =	shalt  }
0x76: {  	_ =	shalt  }
0x77: {  	_ =	shalt  }
0x78: {  	_ =	shalt  }
0x79: {  	_ =	shalt  }
0x7a: {  	_ =	shalt  }
0x7b: {  	_ =	shalt  }
0x7c: {  	_ =	shalt  }
0x7d: {  	_ =	shalt  }
0x7e: {  	_ =	shalt  }
0x7f: {  	_ =	shalt  }
0x80: {  	_ =	shalt  }
0x81: {  	_ =	shalt  }
0x82: {  	_ =	shalt  }
0x83: {  	_ =	shalt  }
0x84: {  	_ =	shalt  }
0x85: {  	_ =	shalt  }
0x86: {  	_ =	shalt  }
0x87: {  	_ =	shalt  }
.Lfunc_end0:
.L_simem_size_0:
called_computation_lowered:
.L_overlay_start_0:
0x88: {  	s2 =	sld [smem:$0x3FD9]  }
0x89: {  	s3 =	sld [smem:$0x3FFE];
	_ =	sdelay $0x1  }
0x8a: {  	s1 =	srdreg.scid  }
0x8b: {  	s0 =	sand.u32 $0x1, s1  }
0x8c: {  	s16 =	sshll.u32 s0, $0xA;
	s2 =	sadd.s32 s3, s2  }
0x8d: {  	s2 =	sadd.s32 s2, s16  }
0x8e: {  	[smem:$0x3FB8] =	sst s2  }
0x8f: {  	_ = 	snop  }
0x90: {  	(tm) =	ssettm $0x1  }
0x91: {  	s17 =	sld [smem:$0x3FFB];
	_ =	sdelay $0x3  }
0x92: {  	_ =	strace s17  }
0x93: {  	s2 =	sld [smem:$0x3FFC];
	_ =	sdelay $0x3  }
0x94: {  	_ =	strace s2  }
0x95: {  	s2 =	sld [smem:$0x3FFD];
	_ =	sdelay $0x3  }
0x96: {  	_ =	strace s2  }
0x97: {  	_ =	strace $0x8FFFFFFF  }
0x98: {  	s18 =	sld [smem:$0x3FDB];
	_ =	sdelay $0x1  }
0x99: {  	s19 =	simm.s32 $_scs_section_size  }
0x9a: {  	s4 =	simm.s32 $_size__tile_overlayer_lowered;
	s5 =	simm.s32 $_tile_overlayer_lowered  }
0x9b: {  	s22 =	simm.s32 $0x1BFF;
	s21 =	sshll.u32 s5, $0x1;
	s2 =	sadd.s32 s19, s18  }
0x9c: {  	s6 =	simm.s32 $0x0;
	s20 =	sshll.u32 s4, $0x1;
	s4 =	sadd.s32 s21, s2  }
0x9d: {  	[timem:s6], [sflag:s22] =	dma.local [hbm:s4], s20  }
0x9e: {  	_ =	swait.ge [sflag:s22], s20  }
0x9f: {  	s3 =	ssub.s32 $0x0, s20;
	[sflag:s22] =	ssyncset.done $0x0  }
0xa0: {  	[sflag:s22] =	ssyncadd.s32 s3;
	_ =	sdelay $0x1  }
0xa1: {  	s23 =	simm.s32 $0x1B8B  }
0xa2: {  	_ =	swait.ge [sflag:s23], $0x1  }
0xa3: {  	[sflag:s23] =	ssyncset.done $0x0  }
0xa4: {  	s25 =	simm.s32 $0x1B8E;
	s24 =	sld [smem:$0x3FFE];
	[sflag:s23] =	ssyncadd.s32 $0xFFFFFFFF  }
0xa5: {  	s26 =	simm.s32 $execute0_lowered;
	[smem:$0x3FD2] =	sst s25  }
0xa6: {  	s4 =	sshll.u32 s26, $0x1;
	_ =	strace $0x80000046;
	[dreg:$0x1] =	wrdreg $0xFFFFFFFF  }
0xa7: {  	s28 =	simm.s32 $_size_execute0_lowered;
	s2 =	sadd.s32 s2, s4;
	[dreg:$0x0] =	wrdreg $0x0  }
0xa8: {  	s4 =	sshll.u32 s28, $0x1;
	[dreg:$0x2] =	wrdreg s2  }
0xa9: {  	[dreg:$0x3] =	wrdreg s4  }
0xaa: {  	[dreg:$0x4] =	wrdreg $0xC0  }
0xab: {  	_ =	task [dreg:s6], $0x5FFFF  }
0xac: {  	[dreg:$0x1] =	wrdreg $0xFFFFFFFF  }
0xad: {  	[dreg:$0x0] =	wrdreg $0x60  }
0xae: {  	[dreg:$0x2] =	wrdreg s24  }
0xaf: {  	[dreg:$0x3] =	wrdreg $0x9  }
0xb0: {  	_ =	task.clear_ibuf [dreg:s6], $0x4FFFF;
	_ =	strace $0x90000046  }
0xb1: {  	s29 =	simm.s32 $0x9;
	_ =	strace $0x80000048  }
0xb2: {  	_ =	swait.ge [sflag:s29], $0x1  }
0xb3: {  	[sflag:s29] =	ssyncadd.s32 $0xFFFFFFFF  }
0xb4: {  	_ =	strace $0x90000048  }
0xb5: {  	_ =	sfence  }
0xb6: {  	s30 =	sld [smem:$0x0];
	_ =	sdelay $0x2  }
0xb7: {  	s31 =	sshll.u32 s1, $0xD;
	s1 =	sshrl.u32 s1, $0x2  }
0xb8: {  	s3 =	sand.u32 $0x4000, s31;
	s1 =	sadd.s32 s1, s30  }
0xb9: {  	s0 =	sor.u32 s3, s0;
	s1 =	sshll.u32 s1, $0x11  }
0xba: {  	s0 =	sor.u32 s1, s0  }
0xbb: {  	s0 =	sadd.s32 $0x8F2B, s0  }
0xbc: {  	[sflag:s0] =	ssyncadd.remote.s32 $0x1  }
0xbd: {  	_ =	sfence.sel $0xFFFF  }
0xbe: {  	[dreg:$0x0] =	wrdreg $0xFFFFFFFF;
	(pc) =	sbr.abs _section_cstart, $3  }
0xbf: {  	[dreg:$0x1] =	wrdreg $0xFFFFFFFF  }
0xc0: {  	_ =	task.clear_ibuf [dreg:s6], $0x2FFFF;
	_ =	strace $0x9FFFFFFF  }
0xc1: {  	(tm) =	ssettm $0x7FFFFFFF  }
tec
execute0_lowered:
.L_overlay_start_1:
0x0: {  	(tag) =	ssettag $0x1  }
0x1: {  	s5 =	rddreg [dreg:$0x0]  }
0x2: {  	s0 =	rddreg [dreg:$0x1]  }
0x3: {  	s3 =	srdreg.scid;
	s1 =	stileid.u32;
	s2 =	simm.s32 $0x0  }
0x4: {  	s16 =	simm.s32 $0xF400;
	s17 =	simm.s32 $0x28;
	s12 =	smul.u32 $0xC3500, s1  }
0x5: {  	s18 =	simm.s32 $0x0;
	s9 =	sand.u32 $0x1, s3;
	s13 =	smul.u32 $0xC350, s1  }
0x6: {  	s24 =	sshll.u32 s1, $0x1;
	[smem:$0x7FF] =	sst s2;
	s15 =	smul.u32 $0x61A8, s9  }
0x7: {  	s3 =	sadd.s32 $0xE4C00, s5;
	s4 =	sor.u32 s9, s24;
	s30 =	smul.u32 $0x61A80, s9  }
0x8: {  	s10 =	sadd.s32 $0x32EE00, s5;
	s6 =	ssub.s32 $0x2, s9;
	s7 =	smul.u32 $0x61A8, s4  }
0x9: {  	_ =	strace $0x80000047;
	s8 =	smul.u32 $0x30D400, s4;
	s25 =	sshrl.u32 s6, $0x1  }
0xa: {  	s4 =	sadd.s32 $0xCC400, s5;
	s11 =	ssub.s32 s6, s25;
	s31 =	sadd.s32 s15, s13  }
0xb: {  	s13 =	simm.s32 $0x1E0;
	s15 =	simm.s32 $0x1;
	s26 =	sshrl.u32 s7, $0x3  }
0xc: {  	s28 =	sshrl.u32 s8, $0x3;
	s7 =	sadd.s32 $0x6180, s7;
	s9 =	smax.u32 s11, $0x1  }
0xd: {  	s11 =	sadd.s32 $0x1E0, s31;
	s5 =	sadd.s32 s4, s26;
	s6 =	sadd.s32 s10, s28  }
0xe: {  	s29 =	sshrl.u32 s7, $0x3;
	s14 =	sshll.u32 s7, $0x4;
	s6 =	sadd.s32 $0x5FA00, s6  }
0xf: {  	s7 =	sadd.s32 s4, s29;
	s8 =	sadd.s32 s10, s14;
	s10 =	sadd.s32 s12, s10  }
0x10: {  	s12 =	simm.s32 $0x2;
	s14 =	simm.s32 $0x400;
	s10 =	sadd.s32 s30, s10  }
.LBB2_1:
0x11: {  	[tilespmem:s2], [sflag:$0x2] =	stream.linear.gather [hbm4b:s5+s2], $0x1E0, $0x38;
	[tilespmem:$0x1E400] =	vst v63  }
0x12: {  	_ =	swait.ge [sflag:s12], $0x1E0  }
0x13: {  	s19 =	sand.u32 $0x1, s15;
	[sflag:s12] =	ssyncset.done $0x0  }
0x14: {  	s30 =	sshrl.u32 s11, $0x3;
	p0 =	seq.s32 s19, $0x0;
	[sflag:s12] =	ssyncadd.s32 $0xFFFFFE20  }
0x15: {  	[tilespmem:s14], [sflag:$0x1] =	stream.indirect.gather [hbm4b:s3+s13], $0x80, s2, s13, $0xb8;
	[tilespmem:$0x1E400] =	vst v63  }
0x16: {  	s19 =	sadd.s32 s4, s30;
	s20 =	simm.s32 @p0 $0x0;
	s21 =	simm.s32 @p0 $0x3  }
0x17: {  	[tilespmem:s20], [sflag:$0x3] =	stream.linear.gather @p0 [hbm4b:s19+s20], $0x1E0, $0x38;
	[tilespmem:$0x1E400] =	vst v63  }
0x18: {  	_ =	swait.ge @p0 [sflag:s21], $0x1E0  }
0x19: {  	[sflag:s21] =	ssyncset.done @p0 $0x0  }
0x1a: {  	[sflag:s21] =	ssyncadd.s32 @p0 $0xFFFFFE20;
	s21 =	simm.s32 @p0 $0x1  }
0x1b: {  	_ =	swait.ge @p0 [sflag:s21], $0xF000  }
0x1c: {  	[sflag:s21] =	ssyncset.done @p0 $0x0  }
0x1d: {  	s22 =	simm.s32 @p0 $0x400;
	[sflag:s21] =	ssyncadd.s32 @p0 $0xFFFF1000;
	s21 =	simm.s32 @p0 $0x1E0  }
0x1e: {  	[tilespmem:s22], [sflag:$0x1] =	stream.indirect.gather @p0 [hbm4b:s3+s21], $0x80, s20, s21, $0xb8;
	[tilespmem:$0x1E400] =	vst v63  }
0x1f: {  	s21 =	simm.s32 @p0 $0xF400  }
0x20: {  	[hbm4b:s10+s20] =	stream.linear.scatter @p0 [tilespmem:s21], [sflag:$0x2], $0xF000, $0x38;
	[tilespmem:$0x1E400] =	vst v63  }
0x21: {  	s22 =	simm.s32 @!p0 $0x3;
	s20 =	simm.s32 @!p0 $0x0;
	s21 =	simm.s32 @!p0 $0x200  }
0x22: {  	[tilespmem:s21], [sflag:$0x3] =	stream.linear.gather @!p0 [hbm4b:s19+s20], $0x1E0, $0x38;
	[tilespmem:$0x1E400] =	vst v63  }
0x23: {  	_ =	swait.ge @!p0 [sflag:s22], $0x1E0  }
0x24: {  	[sflag:s22] =	ssyncset.done @!p0 $0x0  }
0x25: {  	s19 =	simm.s32 @!p0 $0x1;
	[sflag:s22] =	ssyncadd.s32 @!p0 $0xFFFFFE20  }
0x26: {  	_ =	swait.ge @!p0 [sflag:s19], $0xF000  }
0x27: {  	[sflag:s19] =	ssyncset.done @!p0 $0x0  }
0x28: {  	s23 =	simm.s32 @!p0 $0xF400;
	[sflag:s19] =	ssyncadd.s32 @!p0 $0xFFFF1000;
	s19 =	simm.s32 @!p0 $0x1E0  }
0x29: {  	[tilespmem:s23], [sflag:$0x1] =	stream.indirect.gather @!p0 [hbm4b:s3+s19], $0x80, s21, s19, $0xb8;
	[tilespmem:$0x1E400] =	vst v63  }
0x2a: {  	s31 =	simm.s32 $0x2;
	s22 =	simm.s32 @p0 $0x2;
	s19 =	simm.s32 @!p0 $0x400  }
0x2b: {  	[hbm4b:s10+s20] =	stream.linear.scatter @!p0 [tilespmem:s19], [sflag:$0x3], $0xF000, $0x38;
	[tilespmem:$0x1E400] =	vst v63  }
0x2c: {  	s23 =	sand.u32 $0x1, s31;
	s21 =	sadd.s32 $0x1E0, s11;
	_ =	swait.ge [sflag:s22], $0xF000  }
0x2d: {  	s20 =	simm.s32 $0x3;
	s19 =	sadd.s32 $0x1E00, s10;
	[sflag:s22] =	ssyncset.done $0x0  }
.LBB2_2:
0x2e: {  	p0 =	seq.s32 s23, $0x0;
	s23 =	sshrl.u32 s21, $0x3;
	[sflag:s22] =	ssyncadd.s32 $0xFFFF1000  }
0x2f: {  	s23 =	sadd.s32 s4, s23;
	s22 =	simm.s32 @p0 $0x0;
	s24 =	simm.s32 @p0 $0x3  }
0x30: {  	[tilespmem:s22], [sflag:$0x3] =	stream.linear.gather @p0 [hbm4b:s23+s22], $0x1E0, $0x38;
	[tilespmem:$0x1E400] =	vst v63  }
0x31: {  	s25 =	smov.u32 s20;
	s20 =	sadd.s32 $0x1, s20;
	_ =	swait.ge @p0 [sflag:s24], $0x1E0  }
0x32: {  	p1 =	sne.s32 s20, $0x34;
	[sflag:s24] =	ssyncset.done @p0 $0x0  }
0x33: {  	[sflag:s24] =	ssyncadd.s32 @p0 $0xFFFFFE20;
	s24 =	simm.s32 @p0 $0x1  }
0x34: {  	_ =	swait.ge @p0 [sflag:s24], $0xF000  }
0x35: {  	[sflag:s24] =	ssyncset.done @p0 $0x0  }
0x36: {  	s26 =	simm.s32 @p0 $0x400;
	[sflag:s24] =	ssyncadd.s32 @p0 $0xFFFF1000;
	s24 =	simm.s32 @p0 $0x1E0  }
0x37: {  	[tilespmem:s26], [sflag:$0x1] =	stream.indirect.gather @p0 [hbm4b:s3+s24], $0x80, s22, s24, $0xb8;
	[tilespmem:$0x1E400] =	vst v63  }
0x38: {  	s24 =	simm.s32 @p0 $0xF400  }
0x39: {  	[hbm4b:s19+s22] =	stream.linear.scatter @p0 [tilespmem:s24], [sflag:$0x2], $0xF000, $0x38;
	[tilespmem:$0x1E400] =	vst v63  }
0x3a: {  	s26 =	simm.s32 @!p0 $0x200;
	s24 =	simm.s32 @!p0 $0x0;
	s22 =	simm.s32 @!p0 $0x3  }
0x3b: {  	[tilespmem:s26], [sflag:$0x3] =	stream.linear.gather @!p0 [hbm4b:s23+s24], $0x1E0, $0x38;
	[tilespmem:$0x1E400] =	vst v63  }
0x3c: {  	_ =	swait.ge @!p0 [sflag:s22], $0x1E0  }
0x3d: {  	[sflag:s22] =	ssyncset.done @!p0 $0x0  }
0x3e: {  	s23 =	simm.s32 @!p0 $0x1;
	[sflag:s22] =	ssyncadd.s32 @!p0 $0xFFFFFE20  }
0x3f: {  	_ =	swait.ge @!p0 [sflag:s23], $0xF000  }
0x40: {  	[sflag:s23] =	ssyncset.done @!p0 $0x0  }
0x41: {  	s28 =	simm.s32 @!p0 $0xF400;
	[sflag:s23] =	ssyncadd.s32 @!p0 $0xFFFF1000;
	s23 =	simm.s32 @!p0 $0x1E0  }
0x42: {  	[tilespmem:s28], [sflag:$0x1] =	stream.indirect.gather @!p0 [hbm4b:s3+s23], $0x80, s26, s23, $0xb8;
	[tilespmem:$0x1E400] =	vst v63  }
.Ltmp0:
0x43: {  	_ = 	snop;
	(pc) =	sbr.rel @p1 .LBB2_2-.Ltmp0, $4  }
0x44: {  	s22 =	simm.s32 @p0 $0x2;
	s23 =	simm.s32 @!p0 $0x400  }
0x45: {  	[hbm4b:s19+s24] =	stream.linear.scatter @!p0 [tilespmem:s23], [sflag:$0x3], $0xF000, $0x38;
	[tilespmem:$0x1E400] =	vst v63  }
0x46: {  	s19 =	sadd.s32 $0x1E00, s19;
	_ =	swait.ge [sflag:s22], $0xF000  }
0x47: {  	s21 =	sadd.s32 $0x1E0, s21;
	s23 =	sand.u32 $0x1, s25;
	[sflag:s22] =	ssyncset.done $0x0  }
0x48: {  	p0 =	seq.s32 s23, $0x0;
	s20 =	sshrl.u32 s21, $0x3;
	[sflag:s22] =	ssyncadd.s32 $0xFFFF1000  }
0x49: {  	s20 =	sadd.s32 s4, s20;
	s21 =	simm.s32 @p0 $0x0;
	s22 =	simm.s32 @p0 $0x3  }
0x4a: {  	[tilespmem:s21], [sflag:$0x3] =	stream.linear.gather @p0 [hbm4b:s20+s21], $0x1E0, $0x38;
	[tilespmem:$0x1E400] =	vst v63  }
0x4b: {  	_ =	swait.ge @p0 [sflag:s22], $0x1E0  }
0x4c: {  	[sflag:s22] =	ssyncset.done @p0 $0x0  }
0x4d: {  	[sflag:s22] =	ssyncadd.s32 @p0 $0xFFFFFE20;
	s22 =	simm.s32 @p0 $0x1  }
0x4e: {  	_ =	swait.ge @p0 [sflag:s22], $0xF000  }
0x4f: {  	[sflag:s22] =	ssyncset.done @p0 $0x0  }
0x50: {  	s23 =	simm.s32 @p0 $0x400;
	[sflag:s22] =	ssyncadd.s32 @p0 $0xFFFF1000;
	s22 =	simm.s32 @p0 $0x1E0  }
0x51: {  	[tilespmem:s23], [sflag:$0x1] =	stream.indirect.gather @p0 [hbm4b:s3+s22], $0x80, s21, s22, $0xb8;
	[tilespmem:$0x1E400] =	vst v63  }
0x52: {  	s22 =	simm.s32 @p0 $0xF400  }
0x53: {  	[hbm4b:s19+s21] =	stream.linear.scatter @p0 [tilespmem:s22], [sflag:$0x2], $0xF000, $0x38;
	[tilespmem:$0x1E400] =	vst v63  }
0x54: {  	s23 =	simm.s32 @!p0 $0x3;
	s21 =	simm.s32 @!p0 $0x0;
	s22 =	simm.s32 @!p0 $0x200  }
0x55: {  	[tilespmem:s22], [sflag:$0x3] =	stream.linear.gather @!p0 [hbm4b:s20+s21], $0x1E0, $0x38;
	[tilespmem:$0x1E400] =	vst v63  }
0x56: {  	_ =	swait.ge @!p0 [sflag:s23], $0x1E0  }
0x57: {  	[sflag:s23] =	ssyncset.done @!p0 $0x0  }
0x58: {  	s20 =	simm.s32 @!p0 $0x1;
	[sflag:s23] =	ssyncadd.s32 @!p0 $0xFFFFFE20  }
0x59: {  	_ =	swait.ge @!p0 [sflag:s20], $0xF000  }
0x5a: {  	[sflag:s20] =	ssyncset.done @!p0 $0x0  }
0x5b: {  	s24 =	simm.s32 @!p0 $0xF400;
	[sflag:s20] =	ssyncadd.s32 @!p0 $0xFFFF1000;
	s20 =	simm.s32 @!p0 $0x1E0  }
0x5c: {  	[tilespmem:s24], [sflag:$0x1] =	stream.indirect.gather @!p0 [hbm4b:s3+s20], $0x80, s22, s20, $0xb8;
	[tilespmem:$0x1E400] =	vst v63  }
0x5d: {  	s23 =	simm.s32 @p0 $0x2;
	s20 =	simm.s32 @!p0 $0x400  }
0x5e: {  	[hbm4b:s19+s21] =	stream.linear.scatter @!p0 [tilespmem:s20], [sflag:$0x3], $0xF000, $0x38;
	[tilespmem:$0x1E400] =	vst v63  }
0x5f: {  	_ =	swait.ge [sflag:s23], $0xF000  }
0x60: {  	[sflag:s23] =	ssyncset.done $0x0  }
0x61: {  	[sflag:s23] =	ssyncadd.s32 $0xFFFF1000  }
0x62: {  	_ =	swait.ge [sflag:s15], $0xF000  }
0x63: {  	[sflag:s15] =	ssyncset.done $0x0  }
0x64: {  	[sflag:s15] =	ssyncadd.s32 $0xFFFF1000  }
0x65: {  	[hbm4b:s6+s2] =	stream.linear.scatter [tilespmem:s16], [sflag:$0x2], $0xF000, $0x38;
	[tilespmem:$0x1E400] =	vst v63  }
0x66: {  	_ =	swait.ge [sflag:s12], $0xF000  }
0x67: {  	[sflag:s12] =	ssyncset.done $0x0  }
0x68: {  	[sflag:s12] =	ssyncadd.s32 $0xFFFF1000  }
0x69: {  	[tilespmem:s2], [sflag:$0x2] =	stream.linear.gather [hbm4b:s7+s2], $0x28, $0x38;
	[tilespmem:$0x1E400] =	vst v63  }
0x6a: {  	_ =	swait.ge [sflag:s12], $0x28  }
0x6b: {  	[sflag:s12] =	ssyncset.done $0x0  }
0x6c: {  	[sflag:s12] =	ssyncadd.s32 $0xFFFFFFD8  }
0x6d: {  	[tilespmem:s14], [sflag:$0x1] =	stream.indirect.gather [hbm4b:s3+s17], $0x80, s2, s17, $0xb8;
	[tilespmem:$0x1E400] =	vst v63  }
0x6e: {  	s18 =	sadd.s32 $0x1, s18;
	_ =	swait.ge [sflag:s15], $0x1400  }
0x6f: {  	p0 =	sne.s32 s18, s9;
	[sflag:s15] =	ssyncset.done $0x0  }
.Ltmp1:
0x70: {  	[sflag:s15] =	ssyncadd.s32 $0xFFFFEC00;
	(pc) =	sbr.rel @p0 .LBB2_1-.Ltmp1, $4  }
0x71: {  	[hbm4b:s8+s2] =	stream.linear.scatter [tilespmem:s14], [sflag:$0x2], $0x1400, $0x38;
	[tilespmem:$0x1E400] =	vst v63  }
0x72: {  	_ =	swait.ge [sflag:s12], $0x1400  }
0x73: {  	[sflag:s12] =	ssyncset.done $0x0  }
0x74: {  	[sflag:s12] =	ssyncadd.s32 $0xFFFFEC00  }
0x75: {  	_ =	sfence.sel $0x180000  }
0x76: {  	[bflag:$0x0] =	sbarrier.arrive $0xFFFF  }
0x77: {  	p0 =	sne.s32 s1, $0x0;
	_ =	strace $0x90000047  }
0x78: {  	s0 =	sadd.s32 @!p0 $0x100000, s0;
	[bflag:$0x2] =	sbarrier.arrive $0xFFFF  }
0x79: {  	[sflag:s0] =	ssyncadd.tile.s32 @!p0 $0x1;
	_ =	shalt  }
.Lfunc_end2:
_tile_overlayer_lowered:
.L_overlay_start_2:
0x7a: {  	(tag) =	ssettag $0x2  }
0x7b: {  	s0 =	rddreg [dreg:$0x0];
	s2 =	stileid.u32  }
0x7c: {  	s1 =	rddreg [dreg:$0x1];
	p0 =	sne.s32 s2, $0x0  }
0x7d: {  	s3 =	rddreg [dreg:$0x2];
	[bflag:$0x3] =	sbarrier.arrive $0xFFFF;
	s2 =	simm.s32 @!p0 $0x1C02  }
0x7e: {  	[timem:s3], [sflag:s2] =	dma.local @!p0 [hbm:s0], s1  }
0x7f: {  	s0 =	simm.s32 @!p0 $0x2  }
0x80: {  	_ =	swait.ge @!p0 [sflag:s0], s1  }
0x81: {  	s1 =	ssub.s32 @!p0 $0x0, s1;
	[sflag:s0] =	ssyncset.done @!p0 $0x0  }
0x82: {  	[sflag:s0] =	ssyncadd.s32 @!p0 s1  }
0x83: {  	[bflag:$0x3] =	sbarrier.arrive $0xFFFF  }
0x84: {  	_ =	shalt  }

// kernel: kernel.19.cloned.1.call-start
scs
__scs_entry_jumppad:
0x0: {  	(pc) =	sbr.rel $0x88, $3  }
0x1: {  	(tag) =	ssettag $0x0;
	lr =	simm.s32 $0x1  }
0x2: {  	[smem:$0x3F91] =	sst lr;
	_ =	strace $0xD0000000  }
0x3: {  	_ = 	snop  }
0x4: {  	_ = 	snop  }
0x5: {  	_ = 	snop  }
0x6: {  	_ = 	snop  }
0x7: {  	_ = 	snop  }
__scs_overlays_trampoline_lowered:
0x8: {  	[smem:$0x3FA0] =	sst s0  }
0x9: {  	[smem:$0x3FA1] =	sst s1  }
0xa: {  	[smem:$0x3FA2] =	sst s2  }
0xb: {  	[smem:$0x3FA3] =	sst s3  }
0xc: {  	[smem:$0x3FA4] =	sst s4  }
0xd: {  	[smem:$0x3FA5] =	sst s5  }
0xe: {  	[smem:$0x3FA6] =	sst s6  }
0xf: {  	[smem:$0x3FA7] =	sst s7  }
0x10: {  	[smem:$0x3FA8] =	sst s8  }
0x11: {  	[smem:$0x3FA9] =	sst s9;
	s0 =	simm.s32 @!p0 $0x0  }
0x12: {  	s1 =	sld [smem:$0x3F8F];
	s0 =	simm.s32 @p0 $0x1  }
0x13: {  	[smem:$0x3FAA] =	sst s0;
	s0 =	simm.s32 @!p1 $0x0  }
0x14: {  	s2 =	sld [smem:$0x3F8E];
	s0 =	simm.s32 @p1 $0x1  }
0x15: {  	[smem:$0x3FAB] =	sst s0;
	s0 =	simm.s32 @!p2 $0x0  }
0x16: {  	s3 =	sld [smem:$0x3FDB];
	s0 =	simm.s32 @p2 $0x1  }
0x17: {  	s4 =	simm.s32 $0x1BF5;
	[smem:$0x3FAD] =	sst s0  }
0x18: {  	s0 =	sld [smem:$0x3F90];
	_ =	swait.ge [sflag:s4], $0x0  }
0x19: {  	s7 =	sld [smem:$0x3F91]  }
0x1a: {  	s8 =	sadd.s32 $0xFFFFE003, lr  }
0x1b: {  	s9 =	sadd.s32 $0xFFFFFEF7, lr;
	s5 =	simm.s32 $0xFFFFFFFF;
	p2 =	slt.u32 s8, $0xFFFFF086  }
0x1c: {  	p1 =	slt.u32 s9, $0xF7A;
	s5 =	simm.s32 @!p2 $0x0  }
0x1d: {  	s5 =	simm.s32 @p1 $0x1;
	p0 =	seq.s32 s7, s2  }
0x1e: {  	s7 =	smul.u32 @!p0 $0xF7A, s2;
	p2 =	seq.s32 @!p0 s5, $0x0  }
0x1f: {  	s9 =	smul.u32 $0xF7A, s1;
	s8 =	simm.s32 @!p0 $0x1BF5;
	p2 =	por !p2, p0  }
0x20: {  	[sflag:s8] =	ssyncset.s32 @!p0 $0xFFFFF086;
	s6 =	sadd.s32 @!p0 s3, s7;
	s7 =	simm.s32 @!p0 $0x108  }
0x21: {  	s3 =	sadd.s32 s3, s9;
	s6 =	sadd.s32 @!p0 $0x88, s6;
	s7 =	simm.s32 @p2 $0x1082  }
0x22: {  	[simem:s7], [sflag:s8] =	dma.local @!p0 [hbm:s6], $0xF7A  }
0x23: {  	s9 =	sor.u32 $0xD0000000, s2;
	s6 =	simm.s32 $0x108;
	_ =	swait.ge @!p0 [sflag:s8], $0x0  }
0x24: {  	s3 =	sadd.s32 $0x88, s3;
	s6 =	simm.s32 @!p1 $0x1082;
	[sflag:s4] =	ssyncset.s32 $0xFFFFF086  }
0x25: {  	[simem:s6], [sflag:s4] =	dma.local [hbm:s3], $0xF7A  }
0x26: {  	[smem:$0x3F91] =	sst s1;
	(tag) =	ssettag s2;
	_ =	strace s9  }
0x27: {  	s1 =	sld [smem:$0x3FA1]  }
0x28: {  	s2 =	sld [smem:$0x3FA2]  }
0x29: {  	s4 =	sld [smem:$0x3FA4]  }
0x2a: {  	p0 =	seq.s32 s5, $0x0;
	s5 =	sld [smem:$0x3FA5]  }
0x2b: {  	s6 =	sld [smem:$0x3FA6]  }
0x2c: {  	s7 =	sld [smem:$0x3FA7]  }
0x2d: {  	s3 =	simm.s32 $0x108;
	s8 =	sld [smem:$0x3FA8]  }
0x2e: {  	s3 =	simm.s32 @!p0 $0x1082;
	s9 =	sld [smem:$0x3FA9]  }
0x2f: {  	lr =	sadd.s32 s0, s3;
	s0 =	sld [smem:$0x3FA0]  }
0x30: {  	s3 =	sld [smem:$0x3FA3]  }
0x31: {  	[smem:$0x3FAC] =	sst s10  }
0x32: {  	s10 =	sld [smem:$0x3FAA];
	_ =	sdelay $0x3  }
0x33: {  	p0 =	seq.s32 s10, $0x1;
	s10 =	sld [smem:$0x3FAC];
	_ =	sdelay $0x3  }
0x34: {  	[smem:$0x3FAC] =	sst s10  }
0x35: {  	s10 =	sld [smem:$0x3FAB];
	_ =	sdelay $0x3  }
0x36: {  	p1 =	seq.s32 s10, $0x1;
	s10 =	sld [smem:$0x3FAC];
	_ =	sdelay $0x3  }
0x37: {  	[smem:$0x3FAC] =	sst s10  }
0x38: {  	s10 =	sld [smem:$0x3FAD]  }
0x39: {  	_ = 	snop;
	(pc) =	sbr.ind lr, $3  }
0x3a: {  	_ = 	snop  }
0x3b: {  	_ = 	snop  }
0x3c: {  	p2 =	seq.s32 s10, $0x1;
	s10 =	sld [smem:$0x3FAC]  }
0x3d: {  	_ =	shalt  }
0x3e: {  	_ =	shalt  }
0x3f: {  	_ =	shalt  }
0x40: {  	_ =	shalt  }
0x41: {  	_ =	shalt  }
0x42: {  	_ =	shalt  }
0x43: {  	_ =	shalt  }
0x44: {  	_ =	shalt  }
0x45: {  	_ =	shalt  }
0x46: {  	_ =	shalt  }
0x47: {  	_ =	shalt  }
0x48: {  	_ =	shalt  }
0x49: {  	_ =	shalt  }
0x4a: {  	_ =	shalt  }
0x4b: {  	_ =	shalt  }
0x4c: {  	_ =	shalt  }
0x4d: {  	_ =	shalt  }
0x4e: {  	_ =	shalt  }
0x4f: {  	_ =	shalt  }
0x50: {  	_ =	shalt  }
0x51: {  	_ =	shalt  }
0x52: {  	_ =	shalt  }
0x53: {  	_ =	shalt  }
0x54: {  	_ =	shalt  }
0x55: {  	_ =	shalt  }
0x56: {  	_ =	shalt  }
0x57: {  	_ =	shalt  }
0x58: {  	_ =	shalt  }
0x59: {  	_ =	shalt  }
0x5a: {  	_ =	shalt  }
0x5b: {  	_ =	shalt  }
0x5c: {  	_ =	shalt  }
0x5d: {  	_ =	shalt  }
0x5e: {  	_ =	shalt  }
0x5f: {  	_ =	shalt  }
0x60: {  	_ =	shalt  }
0x61: {  	_ =	shalt  }
0x62: {  	_ =	shalt  }
0x63: {  	_ =	shalt  }
0x64: {  	_ =	shalt  }
0x65: {  	_ =	shalt  }
0x66: {  	_ =	shalt  }
0x67: {  	_ =	shalt  }
0x68: {  	_ =	shalt  }
0x69: {  	_ =	shalt  }
0x6a: {  	_ =	shalt  }
0x6b: {  	_ =	shalt  }
0x6c: {  	_ =	shalt  }
0x6d: {  	_ =	shalt  }
0x6e: {  	_ =	shalt  }
0x6f: {  	_ =	shalt  }
0x70: {  	_ =	shalt  }
0x71: {  	_ =	shalt  }
0x72: {  	_ =	shalt  }
0x73: {  	_ =	shalt  }
0x74: {  	_ =	shalt  }
0x75: {  	_ =	shalt  }
0x76: {  	_ =	shalt  }
0x77: {  	_ =	shalt  }
0x78: {  	_ =	shalt  }
0x79: {  	_ =	shalt  }
0x7a: {  	_ =	shalt  }
0x7b: {  	_ =	shalt  }
0x7c: {  	_ =	shalt  }
0x7d: {  	_ =	shalt  }
0x7e: {  	_ =	shalt  }
0x7f: {  	_ =	shalt  }
0x80: {  	_ =	shalt  }
0x81: {  	_ =	shalt  }
0x82: {  	_ =	shalt  }
0x83: {  	_ =	shalt  }
0x84: {  	_ =	shalt  }
0x85: {  	_ =	shalt  }
0x86: {  	_ =	shalt  }
0x87: {  	_ =	shalt  }
.Lfunc_end0:
.L_simem_size_0:
called_computation.1_lowered:
.L_overlay_start_0:
0x88: {  	s2 =	sld [smem:$0x3FD9]  }
0x89: {  	s3 =	sld [smem:$0x3FFE];
	_ =	sdelay $0x1  }
0x8a: {  	s1 =	srdreg.scid  }
0x8b: {  	s0 =	sand.u32 $0x1, s1  }
0x8c: {  	s16 =	sshll.u32 s0, $0xA;
	s2 =	sadd.s32 s3, s2  }
0x8d: {  	s2 =	sadd.s32 s2, s16  }
0x8e: {  	[smem:$0x3FB8] =	sst s2  }
0x8f: {  	_ = 	snop  }
0x90: {  	(tm) =	ssettm $0x1  }
0x91: {  	s17 =	sld [smem:$0x3FFB];
	_ =	sdelay $0x3  }
0x92: {  	_ =	strace s17  }
0x93: {  	s2 =	sld [smem:$0x3FFC];
	_ =	sdelay $0x3  }
0x94: {  	_ =	strace s2  }
0x95: {  	s2 =	sld [smem:$0x3FFD];
	_ =	sdelay $0x3  }
0x96: {  	_ =	strace s2  }
0x97: {  	_ =	strace $0x8FFFFFFF  }
0x98: {  	s18 =	sld [smem:$0x3FDB];
	_ =	sdelay $0x1  }
0x99: {  	s19 =	simm.s32 $_scs_section_size  }
0x9a: {  	s4 =	simm.s32 $_size__tile_overlayer_lowered;
	s5 =	simm.s32 $_tile_overlayer_lowered  }
0x9b: {  	s22 =	simm.s32 $0x1BFF;
	s21 =	sshll.u32 s5, $0x1;
	s2 =	sadd.s32 s19, s18  }
0x9c: {  	s6 =	simm.s32 $0x0;
	s20 =	sshll.u32 s4, $0x1;
	s4 =	sadd.s32 s21, s2  }
0x9d: {  	[timem:s6], [sflag:s22] =	dma.local [hbm:s4], s20  }
0x9e: {  	_ =	swait.ge [sflag:s22], s20  }
0x9f: {  	s3 =	ssub.s32 $0x0, s20;
	[sflag:s22] =	ssyncset.done $0x0  }
0xa0: {  	[sflag:s22] =	ssyncadd.s32 s3;
	_ =	sdelay $0x1  }
0xa1: {  	s23 =	simm.s32 $0x1B8B  }
0xa2: {  	_ =	swait.ge [sflag:s23], $0x1  }
0xa3: {  	[sflag:s23] =	ssyncset.done $0x0  }
0xa4: {  	s25 =	simm.s32 $0x1B8E;
	s24 =	sld [smem:$0x3FFE];
	[sflag:s23] =	ssyncadd.s32 $0xFFFFFFFF  }
0xa5: {  	s26 =	simm.s32 $execute0_lowered;
	[smem:$0x3FD2] =	sst s25  }
0xa6: {  	s4 =	sshll.u32 s26, $0x1;
	_ =	strace $0x80000049;
	[dreg:$0x1] =	wrdreg $0xFFFFFFFF  }
0xa7: {  	s28 =	simm.s32 $_size_execute0_lowered;
	s2 =	sadd.s32 s2, s4;
	[dreg:$0x0] =	wrdreg $0x0  }
0xa8: {  	s4 =	sshll.u32 s28, $0x1;
	[dreg:$0x2] =	wrdreg s2  }
0xa9: {  	[dreg:$0x3] =	wrdreg s4  }
0xaa: {  	[dreg:$0x4] =	wrdreg $0xC0  }
0xab: {  	_ =	task [dreg:s6], $0x5FFFF  }
0xac: {  	[dreg:$0x1] =	wrdreg $0xFFFFFFFF  }
0xad: {  	[dreg:$0x0] =	wrdreg $0x60  }
0xae: {  	[dreg:$0x2] =	wrdreg s24  }
0xaf: {  	[dreg:$0x3] =	wrdreg $0x9  }
0xb0: {  	_ =	task.clear_ibuf [dreg:s6], $0x4FFFF;
	_ =	strace $0x90000049  }
0xb1: {  	s29 =	simm.s32 $0x9;
	_ =	strace $0x8000004B  }
0xb2: {  	_ =	swait.ge [sflag:s29], $0x1  }
0xb3: {  	[sflag:s29] =	ssyncadd.s32 $0xFFFFFFFF  }
0xb4: {  	_ =	strace $0x9000004B  }
0xb5: {  	_ =	sfence  }
0xb6: {  	s30 =	sld [smem:$0x0];
	_ =	sdelay $0x2  }
0xb7: {  	s31 =	sshll.u32 s1, $0xD;
	s1 =	sshrl.u32 s1, $0x2  }
0xb8: {  	s3 =	sand.u32 $0x4000, s31;
	s1 =	sadd.s32 s1, s30  }
0xb9: {  	s0 =	sor.u32 s3, s0;
	s1 =	sshll.u32 s1, $0x11  }
0xba: {  	s0 =	sor.u32 s1, s0  }
0xbb: {  	s0 =	sadd.s32 $0x8F2B, s0  }
0xbc: {  	[sflag:s0] =	ssyncadd.remote.s32 $0x1  }
0xbd: {  	_ =	sfence.sel $0xFFFF  }
0xbe: {  	[dreg:$0x0] =	wrdreg $0xFFFFFFFF;
	(pc) =	sbr.abs _section_cstart, $3  }
0xbf: {  	[dreg:$0x1] =	wrdreg $0xFFFFFFFF  }
0xc0: {  	_ =	task.clear_ibuf [dreg:s6], $0x2FFFF;
	_ =	strace $0x9FFFFFFF  }
0xc1: {  	(tm) =	ssettm $0x7FFFFFFF  }
tec
execute0_lowered:
.L_overlay_start_1:
0x0: {  	(tag) =	ssettag $0x1  }
0x1: {  	s5 =	rddreg [dreg:$0x0]  }
0x2: {  	s0 =	rddreg [dreg:$0x1]  }
0x3: {  	s3 =	srdreg.scid;
	s1 =	stileid.u32;
	s2 =	simm.s32 $0x0  }
0x4: {  	s16 =	simm.s32 $0xF400;
	s17 =	simm.s32 $0x28;
	s12 =	smul.u32 $0xC3500, s1  }
0x5: {  	s18 =	simm.s32 $0x0;
	s9 =	sand.u32 $0x1, s3;
	s13 =	smul.u32 $0xC350, s1  }
0x6: {  	s24 =	sshll.u32 s1, $0x1;
	[smem:$0x7FF] =	sst s2;
	s15 =	smul.u32 $0x61A8, s9  }
0x7: {  	s3 =	sadd.s32 $0x1A8200, s5;
	s4 =	sor.u32 s9, s24;
	s30 =	smul.u32 $0x61A80, s9  }
0x8: {  	s10 =	sadd.s32 $0x157E600, s5;
	s6 =	ssub.s32 $0x2, s9;
	s7 =	smul.u32 $0x61A8, s4  }
0x9: {  	_ =	strace $0x8000004A;
	s8 =	smul.u32 $0x30D400, s4;
	s25 =	sshrl.u32 s6, $0x1  }
0xa: {  	s4 =	sadd.s32 $0xCC400, s5;
	s11 =	ssub.s32 s6, s25;
	s31 =	sadd.s32 s15, s13  }
0xb: {  	s13 =	simm.s32 $0x1E0;
	s15 =	simm.s32 $0x1;
	s26 =	sshrl.u32 s7, $0x3  }
0xc: {  	s28 =	sshrl.u32 s8, $0x3;
	s7 =	sadd.s32 $0x6180, s7;
	s9 =	smax.u32 s11, $0x1  }
0xd: {  	s11 =	sadd.s32 $0x1E0, s31;
	s5 =	sadd.s32 s4, s26;
	s6 =	sadd.s32 s10, s28  }
0xe: {  	s29 =	sshrl.u32 s7, $0x3;
	s14 =	sshll.u32 s7, $0x4;
	s6 =	sadd.s32 $0x5FA00, s6  }
0xf: {  	s7 =	sadd.s32 s4, s29;
	s8 =	sadd.s32 s10, s14;
	s10 =	sadd.s32 s12, s10  }
0x10: {  	s12 =	simm.s32 $0x2;
	s14 =	simm.s32 $0x400;
	s10 =	sadd.s32 s30, s10  }
.LBB2_1:
0x11: {  	[tilespmem:s2], [sflag:$0x2] =	stream.linear.gather [hbm4b:s5+s2], $0x1E0, $0x38;
	[tilespmem:$0x1E400] =	vst v63  }
0x12: {  	_ =	swait.ge [sflag:s12], $0x1E0  }
0x13: {  	s19 =	sand.u32 $0x1, s15;
	[sflag:s12] =	ssyncset.done $0x0  }
0x14: {  	s30 =	sshrl.u32 s11, $0x3;
	p0 =	seq.s32 s19, $0x0;
	[sflag:s12] =	ssyncadd.s32 $0xFFFFFE20  }
0x15: {  	[tilespmem:s14], [sflag:$0x1] =	stream.indirect.gather [hbm4b:s3+s13], $0x80, s2, s13, $0xb8;
	[tilespmem:$0x1E400] =	vst v63  }
0x16: {  	s19 =	sadd.s32 s4, s30;
	s20 =	simm.s32 @p0 $0x0;
	s21 =	simm.s32 @p0 $0x3  }
0x17: {  	[tilespmem:s20], [sflag:$0x3] =	stream.linear.gather @p0 [hbm4b:s19+s20], $0x1E0, $0x38;
	[tilespmem:$0x1E400] =	vst v63  }
0x18: {  	_ =	swait.ge @p0 [sflag:s21], $0x1E0  }
0x19: {  	[sflag:s21] =	ssyncset.done @p0 $0x0  }
0x1a: {  	[sflag:s21] =	ssyncadd.s32 @p0 $0xFFFFFE20;
	s21 =	simm.s32 @p0 $0x1  }
0x1b: {  	_ =	swait.ge @p0 [sflag:s21], $0xF000  }
0x1c: {  	[sflag:s21] =	ssyncset.done @p0 $0x0  }
0x1d: {  	s22 =	simm.s32 @p0 $0x400;
	[sflag:s21] =	ssyncadd.s32 @p0 $0xFFFF1000;
	s21 =	simm.s32 @p0 $0x1E0  }
0x1e: {  	[tilespmem:s22], [sflag:$0x1] =	stream.indirect.gather @p0 [hbm4b:s3+s21], $0x80, s20, s21, $0xb8;
	[tilespmem:$0x1E400] =	vst v63  }
0x1f: {  	s21 =	simm.s32 @p0 $0xF400  }
0x20: {  	[hbm4b:s10+s20] =	stream.linear.scatter @p0 [tilespmem:s21], [sflag:$0x2], $0xF000, $0x38;
	[tilespmem:$0x1E400] =	vst v63  }
0x21: {  	s22 =	simm.s32 @!p0 $0x3;
	s20 =	simm.s32 @!p0 $0x0;
	s21 =	simm.s32 @!p0 $0x200  }
0x22: {  	[tilespmem:s21], [sflag:$0x3] =	stream.linear.gather @!p0 [hbm4b:s19+s20], $0x1E0, $0x38;
	[tilespmem:$0x1E400] =	vst v63  }
0x23: {  	_ =	swait.ge @!p0 [sflag:s22], $0x1E0  }
0x24: {  	[sflag:s22] =	ssyncset.done @!p0 $0x0  }
0x25: {  	s19 =	simm.s32 @!p0 $0x1;
	[sflag:s22] =	ssyncadd.s32 @!p0 $0xFFFFFE20  }
0x26: {  	_ =	swait.ge @!p0 [sflag:s19], $0xF000  }
0x27: {  	[sflag:s19] =	ssyncset.done @!p0 $0x0  }
0x28: {  	s23 =	simm.s32 @!p0 $0xF400;
	[sflag:s19] =	ssyncadd.s32 @!p0 $0xFFFF1000;
	s19 =	simm.s32 @!p0 $0x1E0  }
0x29: {  	[tilespmem:s23], [sflag:$0x1] =	stream.indirect.gather @!p0 [hbm4b:s3+s19], $0x80, s21, s19, $0xb8;
	[tilespmem:$0x1E400] =	vst v63  }
0x2a: {  	s31 =	simm.s32 $0x2;
	s22 =	simm.s32 @p0 $0x2;
	s19 =	simm.s32 @!p0 $0x400  }
0x2b: {  	[hbm4b:s10+s20] =	stream.linear.scatter @!p0 [tilespmem:s19], [sflag:$0x3], $0xF000, $0x38;
	[tilespmem:$0x1E400] =	vst v63  }
0x2c: {  	s23 =	sand.u32 $0x1, s31;
	s21 =	sadd.s32 $0x1E0, s11;
	_ =	swait.ge [sflag:s22], $0xF000  }
0x2d: {  	s20 =	simm.s32 $0x3;
	s19 =	sadd.s32 $0x1E00, s10;
	[sflag:s22] =	ssyncset.done $0x0  }
.LBB2_2:
0x2e: {  	p0 =	seq.s32 s23, $0x0;
	s23 =	sshrl.u32 s21, $0x3;
	[sflag:s22] =	ssyncadd.s32 $0xFFFF1000  }
0x2f: {  	s23 =	sadd.s32 s4, s23;
	s22 =	simm.s32 @p0 $0x0;
	s24 =	simm.s32 @p0 $0x3  }
0x30: {  	[tilespmem:s22], [sflag:$0x3] =	stream.linear.gather @p0 [hbm4b:s23+s22], $0x1E0, $0x38;
	[tilespmem:$0x1E400] =	vst v63  }
0x31: {  	s25 =	smov.u32 s20;
	s20 =	sadd.s32 $0x1, s20;
	_ =	swait.ge @p0 [sflag:s24], $0x1E0  }
0x32: {  	p1 =	sne.s32 s20, $0x34;
	[sflag:s24] =	ssyncset.done @p0 $0x0  }
0x33: {  	[sflag:s24] =	ssyncadd.s32 @p0 $0xFFFFFE20;
	s24 =	simm.s32 @p0 $0x1  }
0x34: {  	_ =	swait.ge @p0 [sflag:s24], $0xF000  }
0x35: {  	[sflag:s24] =	ssyncset.done @p0 $0x0  }
0x36: {  	s26 =	simm.s32 @p0 $0x400;
	[sflag:s24] =	ssyncadd.s32 @p0 $0xFFFF1000;
	s24 =	simm.s32 @p0 $0x1E0  }
0x37: {  	[tilespmem:s26], [sflag:$0x1] =	stream.indirect.gather @p0 [hbm4b:s3+s24], $0x80, s22, s24, $0xb8;
	[tilespmem:$0x1E400] =	vst v63  }
0x38: {  	s24 =	simm.s32 @p0 $0xF400  }
0x39: {  	[hbm4b:s19+s22] =	stream.linear.scatter @p0 [tilespmem:s24], [sflag:$0x2], $0xF000, $0x38;
	[tilespmem:$0x1E400] =	vst v63  }
0x3a: {  	s26 =	simm.s32 @!p0 $0x200;
	s24 =	simm.s32 @!p0 $0x0;
	s22 =	simm.s32 @!p0 $0x3  }
0x3b: {  	[tilespmem:s26], [sflag:$0x3] =	stream.linear.gather @!p0 [hbm4b:s23+s24], $0x1E0, $0x38;
	[tilespmem:$0x1E400] =	vst v63  }
0x3c: {  	_ =	swait.ge @!p0 [sflag:s22], $0x1E0  }
0x3d: {  	[sflag:s22] =	ssyncset.done @!p0 $0x0  }
0x3e: {  	s23 =	simm.s32 @!p0 $0x1;
	[sflag:s22] =	ssyncadd.s32 @!p0 $0xFFFFFE20  }
0x3f: {  	_ =	swait.ge @!p0 [sflag:s23], $0xF000  }
0x40: {  	[sflag:s23] =	ssyncset.done @!p0 $0x0  }
0x41: {  	s28 =	simm.s32 @!p0 $0xF400;
	[sflag:s23] =	ssyncadd.s32 @!p0 $0xFFFF1000;
	s23 =	simm.s32 @!p0 $0x1E0  }
0x42: {  	[tilespmem:s28], [sflag:$0x1] =	stream.indirect.gather @!p0 [hbm4b:s3+s23], $0x80, s26, s23, $0xb8;
	[tilespmem:$0x1E400] =	vst v63  }
.Ltmp0:
0x43: {  	_ = 	snop;
	(pc) =	sbr.rel @p1 .LBB2_2-.Ltmp0, $4  }
0x44: {  	s22 =	simm.s32 @p0 $0x2;
	s23 =	simm.s32 @!p0 $0x400  }
0x45: {  	[hbm4b:s19+s24] =	stream.linear.scatter @!p0 [tilespmem:s23], [sflag:$0x3], $0xF000, $0x38;
	[tilespmem:$0x1E400] =	vst v63  }
0x46: {  	s19 =	sadd.s32 $0x1E00, s19;
	_ =	swait.ge [sflag:s22], $0xF000  }
0x47: {  	s21 =	sadd.s32 $0x1E0, s21;
	s23 =	sand.u32 $0x1, s25;
	[sflag:s22] =	ssyncset.done $0x0  }
0x48: {  	p0 =	seq.s32 s23, $0x0;
	s20 =	sshrl.u32 s21, $0x3;
	[sflag:s22] =	ssyncadd.s32 $0xFFFF1000  }
0x49: {  	s20 =	sadd.s32 s4, s20;
	s21 =	simm.s32 @p0 $0x0;
	s22 =	simm.s32 @p0 $0x3  }
0x4a: {  	[tilespmem:s21], [sflag:$0x3] =	stream.linear.gather @p0 [hbm4b:s20+s21], $0x1E0, $0x38;
	[tilespmem:$0x1E400] =	vst v63  }
0x4b: {  	_ =	swait.ge @p0 [sflag:s22], $0x1E0  }
0x4c: {  	[sflag:s22] =	ssyncset.done @p0 $0x0  }
0x4d: {  	[sflag:s22] =	ssyncadd.s32 @p0 $0xFFFFFE20;
	s22 =	simm.s32 @p0 $0x1  }
0x4e: {  	_ =	swait.ge @p0 [sflag:s22], $0xF000  }
0x4f: {  	[sflag:s22] =	ssyncset.done @p0 $0x0  }
0x50: {  	s23 =	simm.s32 @p0 $0x400;
	[sflag:s22] =	ssyncadd.s32 @p0 $0xFFFF1000;
	s22 =	simm.s32 @p0 $0x1E0  }
0x51: {  	[tilespmem:s23], [sflag:$0x1] =	stream.indirect.gather @p0 [hbm4b:s3+s22], $0x80, s21, s22, $0xb8;
	[tilespmem:$0x1E400] =	vst v63  }
0x52: {  	s22 =	simm.s32 @p0 $0xF400  }
0x53: {  	[hbm4b:s19+s21] =	stream.linear.scatter @p0 [tilespmem:s22], [sflag:$0x2], $0xF000, $0x38;
	[tilespmem:$0x1E400] =	vst v63  }
0x54: {  	s23 =	simm.s32 @!p0 $0x3;
	s21 =	simm.s32 @!p0 $0x0;
	s22 =	simm.s32 @!p0 $0x200  }
0x55: {  	[tilespmem:s22], [sflag:$0x3] =	stream.linear.gather @!p0 [hbm4b:s20+s21], $0x1E0, $0x38;
	[tilespmem:$0x1E400] =	vst v63  }
0x56: {  	_ =	swait.ge @!p0 [sflag:s23], $0x1E0  }
0x57: {  	[sflag:s23] =	ssyncset.done @!p0 $0x0  }
0x58: {  	s20 =	simm.s32 @!p0 $0x1;
	[sflag:s23] =	ssyncadd.s32 @!p0 $0xFFFFFE20  }
0x59: {  	_ =	swait.ge @!p0 [sflag:s20], $0xF000  }
0x5a: {  	[sflag:s20] =	ssyncset.done @!p0 $0x0  }
0x5b: {  	s24 =	simm.s32 @!p0 $0xF400;
	[sflag:s20] =	ssyncadd.s32 @!p0 $0xFFFF1000;
	s20 =	simm.s32 @!p0 $0x1E0  }
0x5c: {  	[tilespmem:s24], [sflag:$0x1] =	stream.indirect.gather @!p0 [hbm4b:s3+s20], $0x80, s22, s20, $0xb8;
	[tilespmem:$0x1E400] =	vst v63  }
0x5d: {  	s23 =	simm.s32 @p0 $0x2;
	s20 =	simm.s32 @!p0 $0x400  }
0x5e: {  	[hbm4b:s19+s21] =	stream.linear.scatter @!p0 [tilespmem:s20], [sflag:$0x3], $0xF000, $0x38;
	[tilespmem:$0x1E400] =	vst v63  }
0x5f: {  	_ =	swait.ge [sflag:s23], $0xF000  }
0x60: {  	[sflag:s23] =	ssyncset.done $0x0  }
0x61: {  	[sflag:s23] =	ssyncadd.s32 $0xFFFF1000  }
0x62: {  	_ =	swait.ge [sflag:s15], $0xF000  }
0x63: {  	[sflag:s15] =	ssyncset.done $0x0  }
0x64: {  	[sflag:s15] =	ssyncadd.s32 $0xFFFF1000  }
0x65: {  	[hbm4b:s6+s2] =	stream.linear.scatter [tilespmem:s16], [sflag:$0x2], $0xF000, $0x38;
	[tilespmem:$0x1E400] =	vst v63  }
0x66: {  	_ =	swait.ge [sflag:s12], $0xF000  }
0x67: {  	[sflag:s12] =	ssyncset.done $0x0  }
0x68: {  	[sflag:s12] =	ssyncadd.s32 $0xFFFF1000  }
0x69: {  	[tilespmem:s2], [sflag:$0x2] =	stream.linear.gather [hbm4b:s7+s2], $0x28, $0x38;
	[tilespmem:$0x1E400] =	vst v63  }
0x6a: {  	_ =	swait.ge [sflag:s12], $0x28  }
0x6b: {  	[sflag:s12] =	ssyncset.done $0x0  }
0x6c: {  	[sflag:s12] =	ssyncadd.s32 $0xFFFFFFD8  }
0x6d: {  	[tilespmem:s14], [sflag:$0x1] =	stream.indirect.gather [hbm4b:s3+s17], $0x80, s2, s17, $0xb8;
	[tilespmem:$0x1E400] =	vst v63  }
0x6e: {  	s18 =	sadd.s32 $0x1, s18;
	_ =	swait.ge [sflag:s15], $0x1400  }
0x6f: {  	p0 =	sne.s32 s18, s9;
	[sflag:s15] =	ssyncset.done $0x0  }
.Ltmp1:
0x70: {  	[sflag:s15] =	ssyncadd.s32 $0xFFFFEC00;
	(pc) =	sbr.rel @p0 .LBB2_1-.Ltmp1, $4  }
0x71: {  	[hbm4b:s8+s2] =	stream.linear.scatter [tilespmem:s14], [sflag:$0x2], $0x1400, $0x38;
	[tilespmem:$0x1E400] =	vst v63  }
0x72: {  	_ =	swait.ge [sflag:s12], $0x1400  }
0x73: {  	[sflag:s12] =	ssyncset.done $0x0  }
0x74: {  	[sflag:s12] =	ssyncadd.s32 $0xFFFFEC00  }
0x75: {  	_ =	sfence.sel $0x180000  }
0x76: {  	[bflag:$0x0] =	sbarrier.arrive $0xFFFF  }
0x77: {  	p0 =	sne.s32 s1, $0x0;
	_ =	strace $0x9000004A  }
0x78: {  	s0 =	sadd.s32 @!p0 $0x100000, s0;
	[bflag:$0x2] =	sbarrier.arrive $0xFFFF  }
0x79: {  	[sflag:s0] =	ssyncadd.tile.s32 @!p0 $0x1;
	_ =	shalt  }
.Lfunc_end2:
_tile_overlayer_lowered:
.L_overlay_start_2:
0x7a: {  	(tag) =	ssettag $0x2  }
0x7b: {  	s0 =	rddreg [dreg:$0x0];
	s2 =	stileid.u32  }
0x7c: {  	s1 =	rddreg [dreg:$0x1];
	p0 =	sne.s32 s2, $0x0  }
0x7d: {  	s3 =	rddreg [dreg:$0x2];
	[bflag:$0x3] =	sbarrier.arrive $0xFFFF;
	s2 =	simm.s32 @!p0 $0x1C02  }
0x7e: {  	[timem:s3], [sflag:s2] =	dma.local @!p0 [hbm:s0], s1  }
0x7f: {  	s0 =	simm.s32 @!p0 $0x2  }
0x80: {  	_ =	swait.ge @!p0 [sflag:s0], s1  }
0x81: {  	s1 =	ssub.s32 @!p0 $0x0, s1;
	[sflag:s0] =	ssyncset.done @!p0 $0x0  }
0x82: {  	[sflag:s0] =	ssyncadd.s32 @!p0 s1  }
0x83: {  	[bflag:$0x3] =	sbarrier.arrive $0xFFFF  }
0x84: {  	_ =	shalt  }

// kernel: kernel.22.cloned.1.call-start
scs
__scs_entry_jumppad:
0x0: {  	(pc) =	sbr.rel $0x88, $3  }
0x1: {  	(tag) =	ssettag $0x0;
	lr =	simm.s32 $0x1  }
0x2: {  	[smem:$0x3F91] =	sst lr;
	_ =	strace $0xD0000000  }
0x3: {  	_ = 	snop  }
0x4: {  	_ = 	snop  }
0x5: {  	_ = 	snop  }
0x6: {  	_ = 	snop  }
0x7: {  	_ = 	snop  }
__scs_overlays_trampoline_lowered:
0x8: {  	[smem:$0x3FA0] =	sst s0  }
0x9: {  	[smem:$0x3FA1] =	sst s1  }
0xa: {  	[smem:$0x3FA2] =	sst s2  }
0xb: {  	[smem:$0x3FA3] =	sst s3  }
0xc: {  	[smem:$0x3FA4] =	sst s4  }
0xd: {  	[smem:$0x3FA5] =	sst s5  }
0xe: {  	[smem:$0x3FA6] =	sst s6  }
0xf: {  	[smem:$0x3FA7] =	sst s7  }
0x10: {  	[smem:$0x3FA8] =	sst s8  }
0x11: {  	[smem:$0x3FA9] =	sst s9;
	s0 =	simm.s32 @!p0 $0x0  }
0x12: {  	s1 =	sld [smem:$0x3F8F];
	s0 =	simm.s32 @p0 $0x1  }
0x13: {  	[smem:$0x3FAA] =	sst s0;
	s0 =	simm.s32 @!p1 $0x0  }
0x14: {  	s2 =	sld [smem:$0x3F8E];
	s0 =	simm.s32 @p1 $0x1  }
0x15: {  	[smem:$0x3FAB] =	sst s0;
	s0 =	simm.s32 @!p2 $0x0  }
0x16: {  	s3 =	sld [smem:$0x3FDB];
	s0 =	simm.s32 @p2 $0x1  }
0x17: {  	s4 =	simm.s32 $0x1BF5;
	[smem:$0x3FAD] =	sst s0  }
0x18: {  	s0 =	sld [smem:$0x3F90];
	_ =	swait.ge [sflag:s4], $0x0  }
0x19: {  	s7 =	sld [smem:$0x3F91]  }
0x1a: {  	s8 =	sadd.s32 $0xFFFFE003, lr  }
0x1b: {  	s9 =	sadd.s32 $0xFFFFFEF7, lr;
	s5 =	simm.s32 $0xFFFFFFFF;
	p2 =	slt.u32 s8, $0xFFFFF086  }
0x1c: {  	p1 =	slt.u32 s9, $0xF7A;
	s5 =	simm.s32 @!p2 $0x0  }
0x1d: {  	s5 =	simm.s32 @p1 $0x1;
	p0 =	seq.s32 s7, s2  }
0x1e: {  	s7 =	smul.u32 @!p0 $0xF7A, s2;
	p2 =	seq.s32 @!p0 s5, $0x0  }
0x1f: {  	s9 =	smul.u32 $0xF7A, s1;
	s8 =	simm.s32 @!p0 $0x1BF5;
	p2 =	por !p2, p0  }
0x20: {  	[sflag:s8] =	ssyncset.s32 @!p0 $0xFFFFF086;
	s6 =	sadd.s32 @!p0 s3, s7;
	s7 =	simm.s32 @!p0 $0x108  }
0x21: {  	s3 =	sadd.s32 s3, s9;
	s6 =	sadd.s32 @!p0 $0x88, s6;
	s7 =	simm.s32 @p2 $0x1082  }
0x22: {  	[simem:s7], [sflag:s8] =	dma.local @!p0 [hbm:s6], $0xF7A  }
0x23: {  	s9 =	sor.u32 $0xD0000000, s2;
	s6 =	simm.s32 $0x108;
	_ =	swait.ge @!p0 [sflag:s8], $0x0  }
0x24: {  	s3 =	sadd.s32 $0x88, s3;
	s6 =	simm.s32 @!p1 $0x1082;
	[sflag:s4] =	ssyncset.s32 $0xFFFFF086  }
0x25: {  	[simem:s6], [sflag:s4] =	dma.local [hbm:s3], $0xF7A  }
0x26: {  	[smem:$0x3F91] =	sst s1;
	(tag) =	ssettag s2;
	_ =	strace s9  }
0x27: {  	s1 =	sld [smem:$0x3FA1]  }
0x28: {  	s2 =	sld [smem:$0x3FA2]  }
0x29: {  	s4 =	sld [smem:$0x3FA4]  }
0x2a: {  	p0 =	seq.s32 s5, $0x0;
	s5 =	sld [smem:$0x3FA5]  }
0x2b: {  	s6 =	sld [smem:$0x3FA6]  }
0x2c: {  	s7 =	sld [smem:$0x3FA7]  }
0x2d: {  	s3 =	simm.s32 $0x108;
	s8 =	sld [smem:$0x3FA8]  }
0x2e: {  	s3 =	simm.s32 @!p0 $0x1082;
	s9 =	sld [smem:$0x3FA9]  }
0x2f: {  	lr =	sadd.s32 s0, s3;
	s0 =	sld [smem:$0x3FA0]  }
0x30: {  	s3 =	sld [smem:$0x3FA3]  }
0x31: {  	[smem:$0x3FAC] =	sst s10  }
0x32: {  	s10 =	sld [smem:$0x3FAA];
	_ =	sdelay $0x3  }
0x33: {  	p0 =	seq.s32 s10, $0x1;
	s10 =	sld [smem:$0x3FAC];
	_ =	sdelay $0x3  }
0x34: {  	[smem:$0x3FAC] =	sst s10  }
0x35: {  	s10 =	sld [smem:$0x3FAB];
	_ =	sdelay $0x3  }
0x36: {  	p1 =	seq.s32 s10, $0x1;
	s10 =	sld [smem:$0x3FAC];
	_ =	sdelay $0x3  }
0x37: {  	[smem:$0x3FAC] =	sst s10  }
0x38: {  	s10 =	sld [smem:$0x3FAD]  }
0x39: {  	_ = 	snop;
	(pc) =	sbr.ind lr, $3  }
0x3a: {  	_ = 	snop  }
0x3b: {  	_ = 	snop  }
0x3c: {  	p2 =	seq.s32 s10, $0x1;
	s10 =	sld [smem:$0x3FAC]  }
0x3d: {  	_ =	shalt  }
0x3e: {  	_ =	shalt  }
0x3f: {  	_ =	shalt  }
0x40: {  	_ =	shalt  }
0x41: {  	_ =	shalt  }
0x42: {  	_ =	shalt  }
0x43: {  	_ =	shalt  }
0x44: {  	_ =	shalt  }
0x45: {  	_ =	shalt  }
0x46: {  	_ =	shalt  }
0x47: {  	_ =	shalt  }
0x48: {  	_ =	shalt  }
0x49: {  	_ =	shalt  }
0x4a: {  	_ =	shalt  }
0x4b: {  	_ =	shalt  }
0x4c: {  	_ =	shalt  }
0x4d: {  	_ =	shalt  }
0x4e: {  	_ =	shalt  }
0x4f: {  	_ =	shalt  }
0x50: {  	_ =	shalt  }
0x51: {  	_ =	shalt  }
0x52: {  	_ =	shalt  }
0x53: {  	_ =	shalt  }
0x54: {  	_ =	shalt  }
0x55: {  	_ =	shalt  }
0x56: {  	_ =	shalt  }
0x57: {  	_ =	shalt  }
0x58: {  	_ =	shalt  }
0x59: {  	_ =	shalt  }
0x5a: {  	_ =	shalt  }
0x5b: {  	_ =	shalt  }
0x5c: {  	_ =	shalt  }
0x5d: {  	_ =	shalt  }
0x5e: {  	_ =	shalt  }
0x5f: {  	_ =	shalt  }
0x60: {  	_ =	shalt  }
0x61: {  	_ =	shalt  }
0x62: {  	_ =	shalt  }
0x63: {  	_ =	shalt  }
0x64: {  	_ =	shalt  }
0x65: {  	_ =	shalt  }
0x66: {  	_ =	shalt  }
0x67: {  	_ =	shalt  }
0x68: {  	_ =	shalt  }
0x69: {  	_ =	shalt  }
0x6a: {  	_ =	shalt  }
0x6b: {  	_ =	shalt  }
0x6c: {  	_ =	shalt  }
0x6d: {  	_ =	shalt  }
0x6e: {  	_ =	shalt  }
0x6f: {  	_ =	shalt  }
0x70: {  	_ =	shalt  }
0x71: {  	_ =	shalt  }
0x72: {  	_ =	shalt  }
0x73: {  	_ =	shalt  }
0x74: {  	_ =	shalt  }
0x75: {  	_ =	shalt  }
0x76: {  	_ =	shalt  }
0x77: {  	_ =	shalt  }
0x78: {  	_ =	shalt  }
0x79: {  	_ =	shalt  }
0x7a: {  	_ =	shalt  }
0x7b: {  	_ =	shalt  }
0x7c: {  	_ =	shalt  }
0x7d: {  	_ =	shalt  }
0x7e: {  	_ =	shalt  }
0x7f: {  	_ =	shalt  }
0x80: {  	_ =	shalt  }
0x81: {  	_ =	shalt  }
0x82: {  	_ =	shalt  }
0x83: {  	_ =	shalt  }
0x84: {  	_ =	shalt  }
0x85: {  	_ =	shalt  }
0x86: {  	_ =	shalt  }
0x87: {  	_ =	shalt  }
.Lfunc_end0:
.L_simem_size_0:
called_computation.2_lowered:
.L_overlay_start_0:
0x88: {  	s2 =	sld [smem:$0x3FD9]  }
0x89: {  	s3 =	sld [smem:$0x3FFE];
	_ =	sdelay $0x1  }
0x8a: {  	s1 =	srdreg.scid  }
0x8b: {  	s0 =	sand.u32 $0x1, s1  }
0x8c: {  	s16 =	sshll.u32 s0, $0xA;
	s2 =	sadd.s32 s3, s2  }
0x8d: {  	s2 =	sadd.s32 s2, s16  }
0x8e: {  	[smem:$0x3FB8] =	sst s2  }
0x8f: {  	_ = 	snop  }
0x90: {  	(tm) =	ssettm $0x1  }
0x91: {  	s17 =	sld [smem:$0x3FFB];
	_ =	sdelay $0x3  }
0x92: {  	_ =	strace s17  }
0x93: {  	s2 =	sld [smem:$0x3FFC];
	_ =	sdelay $0x3  }
0x94: {  	_ =	strace s2  }
0x95: {  	s2 =	sld [smem:$0x3FFD];
	_ =	sdelay $0x3  }
0x96: {  	_ =	strace s2  }
0x97: {  	_ =	strace $0x8FFFFFFF  }
0x98: {  	s18 =	sld [smem:$0x3FDB];
	_ =	sdelay $0x1  }
0x99: {  	s19 =	simm.s32 $_scs_section_size  }
0x9a: {  	s4 =	simm.s32 $_size__tile_overlayer_lowered;
	s5 =	simm.s32 $_tile_overlayer_lowered  }
0x9b: {  	s22 =	simm.s32 $0x1BFF;
	s21 =	sshll.u32 s5, $0x1;
	s2 =	sadd.s32 s19, s18  }
0x9c: {  	s6 =	simm.s32 $0x0;
	s20 =	sshll.u32 s4, $0x1;
	s4 =	sadd.s32 s21, s2  }
0x9d: {  	[timem:s6], [sflag:s22] =	dma.local [hbm:s4], s20  }
0x9e: {  	_ =	swait.ge [sflag:s22], s20  }
0x9f: {  	s3 =	ssub.s32 $0x0, s20;
	[sflag:s22] =	ssyncset.done $0x0  }
0xa0: {  	[sflag:s22] =	ssyncadd.s32 s3;
	_ =	sdelay $0x1  }
0xa1: {  	s23 =	simm.s32 $0x1B8B  }
0xa2: {  	_ =	swait.ge [sflag:s23], $0x1  }
0xa3: {  	[sflag:s23] =	ssyncset.done $0x0  }
0xa4: {  	s25 =	simm.s32 $0x1B8E;
	s24 =	sld [smem:$0x3FFE];
	[sflag:s23] =	ssyncadd.s32 $0xFFFFFFFF  }
0xa5: {  	s26 =	simm.s32 $execute0_lowered;
	[smem:$0x3FD2] =	sst s25  }
0xa6: {  	s4 =	sshll.u32 s26, $0x1;
	_ =	strace $0x8000004C;
	[dreg:$0x1] =	wrdreg $0xFFFFFFFF  }
0xa7: {  	s28 =	simm.s32 $_size_execute0_lowered;
	s2 =	sadd.s32 s2, s4;
	[dreg:$0x0] =	wrdreg $0x0  }
0xa8: {  	s4 =	sshll.u32 s28, $0x1;
	[dreg:$0x2] =	wrdreg s2  }
0xa9: {  	[dreg:$0x3] =	wrdreg s4  }
0xaa: {  	[dreg:$0x4] =	wrdreg $0xC0  }
0xab: {  	_ =	task [dreg:s6], $0x5FFFF  }
0xac: {  	[dreg:$0x1] =	wrdreg $0xFFFFFFFF  }
0xad: {  	[dreg:$0x0] =	wrdreg $0x60  }
0xae: {  	[dreg:$0x2] =	wrdreg s24  }
0xaf: {  	[dreg:$0x3] =	wrdreg $0x9  }
0xb0: {  	_ =	task.clear_ibuf [dreg:s6], $0x4FFFF;
	_ =	strace $0x9000004C  }
0xb1: {  	s29 =	simm.s32 $0x9;
	_ =	strace $0x8000004E  }
0xb2: {  	_ =	swait.ge [sflag:s29], $0x1  }
0xb3: {  	[sflag:s29] =	ssyncadd.s32 $0xFFFFFFFF  }
0xb4: {  	_ =	strace $0x9000004E  }
0xb5: {  	_ =	sfence  }
0xb6: {  	s30 =	sld [smem:$0x0];
	_ =	sdelay $0x2  }
0xb7: {  	s31 =	sshll.u32 s1, $0xD;
	s1 =	sshrl.u32 s1, $0x2  }
0xb8: {  	s3 =	sand.u32 $0x4000, s31;
	s1 =	sadd.s32 s1, s30  }
0xb9: {  	s0 =	sor.u32 s3, s0;
	s1 =	sshll.u32 s1, $0x11  }
0xba: {  	s0 =	sor.u32 s1, s0  }
0xbb: {  	s0 =	sadd.s32 $0x8F2B, s0  }
0xbc: {  	[sflag:s0] =	ssyncadd.remote.s32 $0x1  }
0xbd: {  	_ =	sfence.sel $0xFFFF  }
0xbe: {  	[dreg:$0x0] =	wrdreg $0xFFFFFFFF;
	(pc) =	sbr.abs _section_cstart, $3  }
0xbf: {  	[dreg:$0x1] =	wrdreg $0xFFFFFFFF  }
0xc0: {  	_ =	task.clear_ibuf [dreg:s6], $0x2FFFF;
	_ =	strace $0x9FFFFFFF  }
0xc1: {  	(tm) =	ssettm $0x7FFFFFFF  }
tec
execute0_lowered:
.L_overlay_start_1:
0x0: {  	(tag) =	ssettag $0x1  }
0x1: {  	s5 =	rddreg [dreg:$0x0]  }
0x2: {  	s0 =	rddreg [dreg:$0x1]  }
0x3: {  	s3 =	srdreg.scid;
	s1 =	stileid.u32;
	s2 =	simm.s32 $0x0  }
0x4: {  	s16 =	simm.s32 $0xF400;
	s17 =	simm.s32 $0x28;
	s12 =	smul.u32 $0xC3500, s1  }
0x5: {  	s18 =	simm.s32 $0x0;
	s9 =	sand.u32 $0x1, s3;
	s13 =	smul.u32 $0xC350, s1  }
0x6: {  	s24 =	sshll.u32 s1, $0x1;
	[smem:$0x7FF] =	sst s2;
	s15 =	smul.u32 $0x61A8, s9  }
0x7: {  	s3 =	sadd.s32 $0x1A8200, s5;
	s4 =	sor.u32 s9, s24;
	s30 =	smul.u32 $0x61A80, s9  }
0x8: {  	s10 =	sadd.s32 $0x157E600, s5;
	s6 =	ssub.s32 $0x2, s9;
	s7 =	smul.u32 $0x61A8, s4  }
0x9: {  	_ =	strace $0x8000004D;
	s8 =	smul.u32 $0x30D400, s4;
	s25 =	sshrl.u32 s6, $0x1  }
0xa: {  	s4 =	sadd.s32 $0xCC400, s5;
	s11 =	ssub.s32 s6, s25;
	s31 =	sadd.s32 s15, s13  }
0xb: {  	s13 =	simm.s32 $0x1E0;
	s15 =	simm.s32 $0x1;
	s26 =	sshrl.u32 s7, $0x3  }
0xc: {  	s28 =	sshrl.u32 s8, $0x3;
	s7 =	sadd.s32 $0x6180, s7;
	s9 =	smax.u32 s11, $0x1  }
0xd: {  	s11 =	sadd.s32 $0x1E0, s31;
	s5 =	sadd.s32 s4, s26;
	s6 =	sadd.s32 s10, s28  }
0xe: {  	s29 =	sshrl.u32 s7, $0x3;
	s14 =	sshll.u32 s7, $0x4;
	s6 =	sadd.s32 $0x5FA00, s6  }
0xf: {  	s7 =	sadd.s32 s4, s29;
	s8 =	sadd.s32 s10, s14;
	s10 =	sadd.s32 s12, s10  }
0x10: {  	s12 =	simm.s32 $0x2;
	s14 =	simm.s32 $0x400;
	s10 =	sadd.s32 s30, s10  }
.LBB2_1:
0x11: {  	[tilespmem:s2], [sflag:$0x2] =	stream.linear.gather [hbm4b:s5+s2], $0x1E0, $0x38;
	[tilespmem:$0x1E400] =	vst v63  }
0x12: {  	_ =	swait.ge [sflag:s12], $0x1E0  }
0x13: {  	s19 =	sand.u32 $0x1, s15;
	[sflag:s12] =	ssyncset.done $0x0  }
0x14: {  	s30 =	sshrl.u32 s11, $0x3;
	p0 =	seq.s32 s19, $0x0;
	[sflag:s12] =	ssyncadd.s32 $0xFFFFFE20  }
0x15: {  	[tilespmem:s14], [sflag:$0x1] =	stream.indirect.gather [hbm4b:s3+s13], $0x80, s2, s13, $0xb8;
	[tilespmem:$0x1E400] =	vst v63  }
0x16: {  	s19 =	sadd.s32 s4, s30;
	s20 =	simm.s32 @p0 $0x0;
	s21 =	simm.s32 @p0 $0x3  }
0x17: {  	[tilespmem:s20], [sflag:$0x3] =	stream.linear.gather @p0 [hbm4b:s19+s20], $0x1E0, $0x38;
	[tilespmem:$0x1E400] =	vst v63  }
0x18: {  	_ =	swait.ge @p0 [sflag:s21], $0x1E0  }
0x19: {  	[sflag:s21] =	ssyncset.done @p0 $0x0  }
0x1a: {  	[sflag:s21] =	ssyncadd.s32 @p0 $0xFFFFFE20;
	s21 =	simm.s32 @p0 $0x1  }
0x1b: {  	_ =	swait.ge @p0 [sflag:s21], $0xF000  }
0x1c: {  	[sflag:s21] =	ssyncset.done @p0 $0x0  }
0x1d: {  	s22 =	simm.s32 @p0 $0x400;
	[sflag:s21] =	ssyncadd.s32 @p0 $0xFFFF1000;
	s21 =	simm.s32 @p0 $0x1E0  }
0x1e: {  	[tilespmem:s22], [sflag:$0x1] =	stream.indirect.gather @p0 [hbm4b:s3+s21], $0x80, s20, s21, $0xb8;
	[tilespmem:$0x1E400] =	vst v63  }
0x1f: {  	s21 =	simm.s32 @p0 $0xF400  }
0x20: {  	[hbm4b:s10+s20] =	stream.linear.scatter @p0 [tilespmem:s21], [sflag:$0x2], $0xF000, $0x38;
	[tilespmem:$0x1E400] =	vst v63  }
0x21: {  	s22 =	simm.s32 @!p0 $0x3;
	s20 =	simm.s32 @!p0 $0x0;
	s21 =	simm.s32 @!p0 $0x200  }
0x22: {  	[tilespmem:s21], [sflag:$0x3] =	stream.linear.gather @!p0 [hbm4b:s19+s20], $0x1E0, $0x38;
	[tilespmem:$0x1E400] =	vst v63  }
0x23: {  	_ =	swait.ge @!p0 [sflag:s22], $0x1E0  }
0x24: {  	[sflag:s22] =	ssyncset.done @!p0 $0x0  }
0x25: {  	s19 =	simm.s32 @!p0 $0x1;
	[sflag:s22] =	ssyncadd.s32 @!p0 $0xFFFFFE20  }
0x26: {  	_ =	swait.ge @!p0 [sflag:s19], $0xF000  }
0x27: {  	[sflag:s19] =	ssyncset.done @!p0 $0x0  }
0x28: {  	s23 =	simm.s32 @!p0 $0xF400;
	[sflag:s19] =	ssyncadd.s32 @!p0 $0xFFFF1000;
	s19 =	simm.s32 @!p0 $0x1E0  }
0x29: {  	[tilespmem:s23], [sflag:$0x1] =	stream.indirect.gather @!p0 [hbm4b:s3+s19], $0x80, s21, s19, $0xb8;
	[tilespmem:$0x1E400] =	vst v63  }
0x2a: {  	s31 =	simm.s32 $0x2;
	s22 =	simm.s32 @p0 $0x2;
	s19 =	simm.s32 @!p0 $0x400  }
0x2b: {  	[hbm4b:s10+s20] =	stream.linear.scatter @!p0 [tilespmem:s19], [sflag:$0x3], $0xF000, $0x38;
	[tilespmem:$0x1E400] =	vst v63  }
0x2c: {  	s23 =	sand.u32 $0x1, s31;
	s21 =	sadd.s32 $0x1E0, s11;
	_ =	swait.ge [sflag:s22], $0xF000  }
0x2d: {  	s20 =	simm.s32 $0x3;
	s19 =	sadd.s32 $0x1E00, s10;
	[sflag:s22] =	ssyncset.done $0x0  }
.LBB2_2:
0x2e: {  	p0 =	seq.s32 s23, $0x0;
	s23 =	sshrl.u32 s21, $0x3;
	[sflag:s22] =	ssyncadd.s32 $0xFFFF1000  }
0x2f: {  	s23 =	sadd.s32 s4, s23;
	s22 =	simm.s32 @p0 $0x0;
	s24 =	simm.s32 @p0 $0x3  }
0x30: {  	[tilespmem:s22], [sflag:$0x3] =	stream.linear.gather @p0 [hbm4b:s23+s22], $0x1E0, $0x38;
	[tilespmem:$0x1E400] =	vst v63  }
0x31: {  	s25 =	smov.u32 s20;
	s20 =	sadd.s32 $0x1, s20;
	_ =	swait.ge @p0 [sflag:s24], $0x1E0  }
0x32: {  	p1 =	sne.s32 s20, $0x34;
	[sflag:s24] =	ssyncset.done @p0 $0x0  }
0x33: {  	[sflag:s24] =	ssyncadd.s32 @p0 $0xFFFFFE20;
	s24 =	simm.s32 @p0 $0x1  }
0x34: {  	_ =	swait.ge @p0 [sflag:s24], $0xF000  }
0x35: {  	[sflag:s24] =	ssyncset.done @p0 $0x0  }
0x36: {  	s26 =	simm.s32 @p0 $0x400;
	[sflag:s24] =	ssyncadd.s32 @p0 $0xFFFF1000;
	s24 =	simm.s32 @p0 $0x1E0  }
0x37: {  	[tilespmem:s26], [sflag:$0x1] =	stream.indirect.gather @p0 [hbm4b:s3+s24], $0x80, s22, s24, $0xb8;
	[tilespmem:$0x1E400] =	vst v63  }
0x38: {  	s24 =	simm.s32 @p0 $0xF400  }
0x39: {  	[hbm4b:s19+s22] =	stream.linear.scatter @p0 [tilespmem:s24], [sflag:$0x2], $0xF000, $0x38;
	[tilespmem:$0x1E400] =	vst v63  }
0x3a: {  	s26 =	simm.s32 @!p0 $0x200;
	s24 =	simm.s32 @!p0 $0x0;
	s22 =	simm.s32 @!p0 $0x3  }
0x3b: {  	[tilespmem:s26], [sflag:$0x3] =	stream.linear.gather @!p0 [hbm4b:s23+s24], $0x1E0, $0x38;
	[tilespmem:$0x1E400] =	vst v63  }
0x3c: {  	_ =	swait.ge @!p0 [sflag:s22], $0x1E0  }
0x3d: {  	[sflag:s22] =	ssyncset.done @!p0 $0x0  }
0x3e: {  	s23 =	simm.s32 @!p0 $0x1;
	[sflag:s22] =	ssyncadd.s32 @!p0 $0xFFFFFE20  }
0x3f: {  	_ =	swait.ge @!p0 [sflag:s23], $0xF000  }
0x40: {  	[sflag:s23] =	ssyncset.done @!p0 $0x0  }
0x41: {  	s28 =	simm.s32 @!p0 $0xF400;
	[sflag:s23] =	ssyncadd.s32 @!p0 $0xFFFF1000;
	s23 =	simm.s32 @!p0 $0x1E0  }
0x42: {  	[tilespmem:s28], [sflag:$0x1] =	stream.indirect.gather @!p0 [hbm4b:s3+s23], $0x80, s26, s23, $0xb8;
	[tilespmem:$0x1E400] =	vst v63  }
.Ltmp0:
0x43: {  	_ = 	snop;
	(pc) =	sbr.rel @p1 .LBB2_2-.Ltmp0, $4  }
0x44: {  	s22 =	simm.s32 @p0 $0x2;
	s23 =	simm.s32 @!p0 $0x400  }
0x45: {  	[hbm4b:s19+s24] =	stream.linear.scatter @!p0 [tilespmem:s23], [sflag:$0x3], $0xF000, $0x38;
	[tilespmem:$0x1E400] =	vst v63  }
0x46: {  	s19 =	sadd.s32 $0x1E00, s19;
	_ =	swait.ge [sflag:s22], $0xF000  }
0x47: {  	s21 =	sadd.s32 $0x1E0, s21;
	s23 =	sand.u32 $0x1, s25;
	[sflag:s22] =	ssyncset.done $0x0  }
0x48: {  	p0 =	seq.s32 s23, $0x0;
	s20 =	sshrl.u32 s21, $0x3;
	[sflag:s22] =	ssyncadd.s32 $0xFFFF1000  }
0x49: {  	s20 =	sadd.s32 s4, s20;
	s21 =	simm.s32 @p0 $0x0;
	s22 =	simm.s32 @p0 $0x3  }
0x4a: {  	[tilespmem:s21], [sflag:$0x3] =	stream.linear.gather @p0 [hbm4b:s20+s21], $0x1E0, $0x38;
	[tilespmem:$0x1E400] =	vst v63  }
0x4b: {  	_ =	swait.ge @p0 [sflag:s22], $0x1E0  }
0x4c: {  	[sflag:s22] =	ssyncset.done @p0 $0x0  }
0x4d: {  	[sflag:s22] =	ssyncadd.s32 @p0 $0xFFFFFE20;
	s22 =	simm.s32 @p0 $0x1  }
0x4e: {  	_ =	swait.ge @p0 [sflag:s22], $0xF000  }
0x4f: {  	[sflag:s22] =	ssyncset.done @p0 $0x0  }
0x50: {  	s23 =	simm.s32 @p0 $0x400;
	[sflag:s22] =	ssyncadd.s32 @p0 $0xFFFF1000;
	s22 =	simm.s32 @p0 $0x1E0  }
0x51: {  	[tilespmem:s23], [sflag:$0x1] =	stream.indirect.gather @p0 [hbm4b:s3+s22], $0x80, s21, s22, $0xb8;
	[tilespmem:$0x1E400] =	vst v63  }
0x52: {  	s22 =	simm.s32 @p0 $0xF400  }
0x53: {  	[hbm4b:s19+s21] =	stream.linear.scatter @p0 [tilespmem:s22], [sflag:$0x2], $0xF000, $0x38;
	[tilespmem:$0x1E400] =	vst v63  }
0x54: {  	s23 =	simm.s32 @!p0 $0x3;
	s21 =	simm.s32 @!p0 $0x0;
	s22 =	simm.s32 @!p0 $0x200  }
0x55: {  	[tilespmem:s22], [sflag:$0x3] =	stream.linear.gather @!p0 [hbm4b:s20+s21], $0x1E0, $0x38;
	[tilespmem:$0x1E400] =	vst v63  }
0x56: {  	_ =	swait.ge @!p0 [sflag:s23], $0x1E0  }
0x57: {  	[sflag:s23] =	ssyncset.done @!p0 $0x0  }
0x58: {  	s20 =	simm.s32 @!p0 $0x1;
	[sflag:s23] =	ssyncadd.s32 @!p0 $0xFFFFFE20  }
0x59: {  	_ =	swait.ge @!p0 [sflag:s20], $0xF000  }
0x5a: {  	[sflag:s20] =	ssyncset.done @!p0 $0x0  }
0x5b: {  	s24 =	simm.s32 @!p0 $0xF400;
	[sflag:s20] =	ssyncadd.s32 @!p0 $0xFFFF1000;
	s20 =	simm.s32 @!p0 $0x1E0  }
0x5c: {  	[tilespmem:s24], [sflag:$0x1] =	stream.indirect.gather @!p0 [hbm4b:s3+s20], $0x80, s22, s20, $0xb8;
	[tilespmem:$0x1E400] =	vst v63  }
0x5d: {  	s23 =	simm.s32 @p0 $0x2;
	s20 =	simm.s32 @!p0 $0x400  }
0x5e: {  	[hbm4b:s19+s21] =	stream.linear.scatter @!p0 [tilespmem:s20], [sflag:$0x3], $0xF000, $0x38;
	[tilespmem:$0x1E400] =	vst v63  }
0x5f: {  	_ =	swait.ge [sflag:s23], $0xF000  }
0x60: {  	[sflag:s23] =	ssyncset.done $0x0  }
0x61: {  	[sflag:s23] =	ssyncadd.s32 $0xFFFF1000  }
0x62: {  	_ =	swait.ge [sflag:s15], $0xF000  }
0x63: {  	[sflag:s15] =	ssyncset.done $0x0  }
0x64: {  	[sflag:s15] =	ssyncadd.s32 $0xFFFF1000  }
0x65: {  	[hbm4b:s6+s2] =	stream.linear.scatter [tilespmem:s16], [sflag:$0x2], $0xF000, $0x38;
	[tilespmem:$0x1E400] =	vst v63  }
0x66: {  	_ =	swait.ge [sflag:s12], $0xF000  }
0x67: {  	[sflag:s12] =	ssyncset.done $0x0  }
0x68: {  	[sflag:s12] =	ssyncadd.s32 $0xFFFF1000  }
0x69: {  	[tilespmem:s2], [sflag:$0x2] =	stream.linear.gather [hbm4b:s7+s2], $0x28, $0x38;
	[tilespmem:$0x1E400] =	vst v63  }
0x6a: {  	_ =	swait.ge [sflag:s12], $0x28  }
0x6b: {  	[sflag:s12] =	ssyncset.done $0x0  }
0x6c: {  	[sflag:s12] =	ssyncadd.s32 $0xFFFFFFD8  }
0x6d: {  	[tilespmem:s14], [sflag:$0x1] =	stream.indirect.gather [hbm4b:s3+s17], $0x80, s2, s17, $0xb8;
	[tilespmem:$0x1E400] =	vst v63  }
0x6e: {  	s18 =	sadd.s32 $0x1, s18;
	_ =	swait.ge [sflag:s15], $0x1400  }
0x6f: {  	p0 =	sne.s32 s18, s9;
	[sflag:s15] =	ssyncset.done $0x0  }
.Ltmp1:
0x70: {  	[sflag:s15] =	ssyncadd.s32 $0xFFFFEC00;
	(pc) =	sbr.rel @p0 .LBB2_1-.Ltmp1, $4  }
0x71: {  	[hbm4b:s8+s2] =	stream.linear.scatter [tilespmem:s14], [sflag:$0x2], $0x1400, $0x38;
	[tilespmem:$0x1E400] =	vst v63  }
0x72: {  	_ =	swait.ge [sflag:s12], $0x1400  }
0x73: {  	[sflag:s12] =	ssyncset.done $0x0  }
0x74: {  	[sflag:s12] =	ssyncadd.s32 $0xFFFFEC00  }
0x75: {  	_ =	sfence.sel $0x180000  }
0x76: {  	[bflag:$0x0] =	sbarrier.arrive $0xFFFF  }
0x77: {  	p0 =	sne.s32 s1, $0x0;
	_ =	strace $0x9000004D  }
0x78: {  	s0 =	sadd.s32 @!p0 $0x100000, s0;
	[bflag:$0x2] =	sbarrier.arrive $0xFFFF  }
0x79: {  	[sflag:s0] =	ssyncadd.tile.s32 @!p0 $0x1;
	_ =	shalt  }
.Lfunc_end2:
_tile_overlayer_lowered:
.L_overlay_start_2:
0x7a: {  	(tag) =	ssettag $0x2  }
0x7b: {  	s0 =	rddreg [dreg:$0x0];
	s2 =	stileid.u32  }
0x7c: {  	s1 =	rddreg [dreg:$0x1];
	p0 =	sne.s32 s2, $0x0  }
0x7d: {  	s3 =	rddreg [dreg:$0x2];
	[bflag:$0x3] =	sbarrier.arrive $0xFFFF;
	s2 =	simm.s32 @!p0 $0x1C02  }
0x7e: {  	[timem:s3], [sflag:s2] =	dma.local @!p0 [hbm:s0], s1  }
0x7f: {  	s0 =	simm.s32 @!p0 $0x2  }
0x80: {  	_ =	swait.ge @!p0 [sflag:s0], s1  }
0x81: {  	s1 =	ssub.s32 @!p0 $0x0, s1;
	[sflag:s0] =	ssyncset.done @!p0 $0x0  }
0x82: {  	[sflag:s0] =	ssyncadd.s32 @!p0 s1  }
0x83: {  	[bflag:$0x3] =	sbarrier.arrive $0xFFFF  }
0x84: {  	_ =	shalt  }

</sc_bundles>
